<compile_context>
chip_gen: v7x
topology: tpu7x:2x2x1
jax: 0.10.2.dev20260603
libtpu: 0.0.44.dev20260713+nightly
codegen_flags: <defaults>
</compile_context>

<pallas_src>
import functools
import numpy as np
import jax
import jax.numpy as jnp
from jax import lax
from jax.experimental import pallas as pl
from jax.experimental.pallas import tpu as pltpu
from jax.experimental.pallas import tpu_sc as plsc

_N = 10000
_E = 160000
_MUL = 16
_NB = 10
_H = 256
_WN = 512

_SCALE = float(np.sqrt(2.0) / 256.0)
_INV_SQRT10 = float(1.0 / np.sqrt(10.0))

_EB = 1280
_GRID = _E // _EB

_ROWS = _E // 128
_RPW = _ROWS // 32
_RPT = _ROWS // 16
_STRIPE = _N // 16


def _build_consts():
    col = np.arange(_WN)
    i_of_col = (col % 256) // 16
    t = (np.arange(_MUL)[:, None] == i_of_col[None, :]).astype(np.float32)
    r = np.zeros((_WN, 64), np.float32)
    q = np.zeros((4, 64), np.float32)
    q[0, :16] = _SCALE
    for i in range(16):
        for k in range(16):
            r[i * 16 + k, k] = 1.0
            for d in range(3):
                r[256 + i * 16 + k, 16 + k * 3 + d] = 1.0
    for k in range(16):
        for d in range(3):
            q[1 + d, 16 + k * 3 + d] = _SCALE
    return jnp.asarray(t), jnp.asarray(r), jnp.asarray(q)



def _tc_body(es_ref, x_ref, sh_ref, w1_ref, w2_ref, t_ref, r_ref, q_ref,
             out_ref):
    es = es_ref[...]
    h = jnp.dot(es, w1_ref[...], preferred_element_type=jnp.float32)
    h = jnp.maximum(h, 0.0).astype(jnp.bfloat16)
    w = jnp.dot(h, w2_ref[...],
                preferred_element_type=jnp.float32).astype(jnp.bfloat16)
    xb = jnp.dot(x_ref[...].astype(jnp.bfloat16), t_ref[...],
                 preferred_element_type=jnp.float32).astype(jnp.bfloat16)
    m = w * xb
    y = jnp.dot(m, r_ref[...], preferred_element_type=jnp.float32)
    shb = jnp.dot(sh_ref[...], q_ref[...], preferred_element_type=jnp.float32)
    out_ref[...] = y * shb


def _tc_call(edge_scalars, x_src, edge_sh, w1, w2):
    t, r, q = _build_consts()
    return pl.pallas_call(
        _tc_body,
        grid=(_GRID,),
        in_specs=[
            pl.BlockSpec((_EB, _NB), lambda g: (g, 0)),
            pl.BlockSpec((_EB, _MUL), lambda g: (g, 0)),
            pl.BlockSpec((_EB, 4), lambda g: (g, 0)),
            pl.BlockSpec((_NB, _H), lambda g: (0, 0)),
            pl.BlockSpec((_H, _WN), lambda g: (0, 0)),
            pl.BlockSpec((_MUL, _WN), lambda g: (0, 0)),
            pl.BlockSpec((_WN, 64), lambda g: (0, 0)),
            pl.BlockSpec((4, 64), lambda g: (0, 0)),
        ],
        out_specs=pl.BlockSpec((_EB, 64), lambda g: (g, 0)),
        out_shape=jax.ShapeDtypeStruct((_E, 64), jnp.float32),
    )(edge_scalars, x_src, edge_sh, w1 * _INV_SQRT10,
      w2.astype(jnp.bfloat16), t.astype(jnp.bfloat16),
      r.astype(jnp.bfloat16), q)



def _gather_call(nf, src2):
    mesh = plsc.VectorSubcoreMesh(core_axis_name="c", subcore_axis_name="s")

    @functools.partial(
        pl.kernel,
        out_type=jax.ShapeDtypeStruct((_E, _MUL), jnp.float32),
        mesh=mesh,
        scratch_types=[
            pltpu.VMEM((_RPW + 1, 128), jnp.int32),
            pltpu.VMEM(((_RPW + 1) * 128, _MUL), jnp.float32),
            pltpu.SemaphoreType.DMA,
        ],
        compiler_params=pltpu.CompilerParams(use_tc_tiling_on_sc=False),
    )
    def gather_k(nf_hbm, src_hbm, out_hbm, idx_b, rows_b, sem):
        wid = lax.axis_index("s") * 2 + lax.axis_index("c")
        r0 = wid * _RPW
        pltpu.sync_copy(src_hbm.at[pl.ds(r0, _RPW)],
                        idx_b.at[pl.ds(0, _RPW)])

        def chunk(k, carry):
            base = k * 13
            handles = []
            for j in range(13):
                row = base + j
                handles.append(pltpu.async_copy(
                    nf_hbm.at[idx_b.at[row]],
                    rows_b.at[pl.ds(row * 128, 128)], sem))
            for h in handles:
                h.wait()
            return carry

        lax.fori_loop(0, _RPW // 13, chunk, 0)
        pltpu.sync_copy(rows_b.at[pl.ds(0, _RPW * 128)],
                        out_hbm.at[pl.ds(wid * (_RPW * 128), _RPW * 128)])

        @pl.when(wid < 2)
        def _():
            row = 32 * _RPW + wid
            pltpu.sync_copy(src_hbm.at[pl.ds(row, 1)],
                            idx_b.at[pl.ds(_RPW, 1)])
            pltpu.async_copy(nf_hbm.at[idx_b.at[_RPW]],
                             rows_b.at[pl.ds(_RPW * 128, 128)], sem).wait()
            pltpu.sync_copy(rows_b.at[pl.ds(_RPW * 128, 128)],
                            out_hbm.at[pl.ds(row * 128, 128)])

    return gather_k(nf, src2)



def _scatter_call(ef2, dst2):
    mesh = plsc.VectorSubcoreMesh(core_axis_name="c", subcore_axis_name="s")

    @functools.partial(
        pl.kernel,
        out_type=jax.ShapeDtypeStruct((2, _N, 32), jnp.float32),
        mesh=mesh,
        scratch_types=[
            pltpu.VMEM((6, 128), jnp.int32),
            pltpu.VMEM((768, 32), jnp.float32),
            pltpu.VMEM((_STRIPE, 32), jnp.float32),
            pltpu.VMEM_SHARED((_N, 32), jnp.float32),
        ],
        compiler_params=pltpu.CompilerParams(use_tc_tiling_on_sc=False),
    )
    def scatter_k(ef_hbm, dst_hbm, out_hbm, idx_b, val_b, zb, accum):
        c = lax.axis_index("c")
        s = lax.axis_index("s")
        zeros16 = jnp.zeros((16,), jnp.float32)

        def zrow(rr, carry):
            zb[rr, pl.ds(0, 16)] = zeros16
            zb[rr, pl.ds(16, 16)] = zeros16
            return carry

        lax.fori_loop(0, _STRIPE, zrow, 0)
        pltpu.sync_copy(zb, accum.at[pl.ds(s * _STRIPE, _STRIPE)])
        plsc.subcore_barrier()

        def chunk(k, carry):
            r0 = s * _RPT + k * 6
            pltpu.sync_copy(dst_hbm.at[pl.ds(r0, 6)], idx_b)
            pltpu.sync_copy(ef_hbm.at[pl.ds(r0 * 128, 768),
                                      pl.ds(c * 32, 32)], val_b)
            for j in range(6):
                pltpu.sync_copy(val_b.at[pl.ds(j * 128, 128)],
                                accum.at[idx_b.at[j]], add=True)
            return carry

        lax.fori_loop(0, _RPT // 6, chunk, 0)

        @pl.when(s < 2)
        def _():
            row = 16 * _RPT + s
            pltpu.sync_copy(dst_hbm.at[pl.ds(row, 1)], idx_b.at[pl.ds(0, 1)])
            pltpu.sync_copy(ef_hbm.at[pl.ds(row * 128, 128),
                                      pl.ds(c * 32, 32)],
                            val_b.at[pl.ds(0, 128)])
            pltpu.sync_copy(val_b.at[pl.ds(0, 128)],
                            accum.at[idx_b.at[0]], add=True)

        plsc.subcore_barrier()
        pltpu.sync_copy(accum.at[pl.ds(s * _STRIPE, _STRIPE)], zb)
        pltpu.sync_copy(zb, out_hbm.at[c, pl.ds(s * _STRIPE, _STRIPE)])

    return scatter_k(ef2, dst2)


def kernel(node_features, edge_src, edge_dst, edge_sh, edge_scalars, W1, W2):
    src2 = edge_src.astype(jnp.int32).reshape(_ROWS, 128)
    dst2 = edge_dst.astype(jnp.int32).reshape(_ROWS, 128)
    x_src = _gather_call(node_features, src2)
    ef2 = _tc_call(edge_scalars, x_src, edge_sh, W1, W2)
    parts = _scatter_call(ef2, dst2)
    return jnp.concatenate([parts[0], parts[1]], axis=1)

# --- scband reference (transcript-rebuilt; emitter-appended) ---
"""Pipeline reference for scband-convolution-32186484916935 (READ-ONLY COPY).

The authoritative reference and input builder live on the scoring server;
editing this copy changes nothing except your own understanding.
"""

import jax, jax.numpy as jnp
import numpy as np

N_NODES = 10000
N_EDGES = 160000
MUL = 16            # multiplicity of 0e in irreps_in / of each irrep in irreps_out
NUM_BASIS = 10
HIDDEN = 256
WEIGHT_NUMEL = 2 * MUL * MUL  # one weight block per path: (0e x 0e -> 0e) and (0e x 1o -> 1o)


def setup_inputs(seed: int = 0) -> dict:
    key = jax.random.key(seed)
    ks = jax.random.split(key, 7)
    node_features = jax.random.normal(ks[0], (N_NODES, MUL), dtype=jnp.float32)
    edge_src = jax.random.randint(ks[1], (N_EDGES,), 0, N_NODES, dtype=jnp.int64)
    edge_dst = jax.random.randint(ks[2], (N_EDGES,), 0, N_NODES, dtype=jnp.int64)
    edge_sh = jax.random.normal(ks[3], (N_EDGES, 4), dtype=jnp.float32)  # [Y_0, Y_1m, Y_10, Y_1p]
    edge_scalars = jax.random.uniform(ks[4], (N_EDGES, NUM_BASIS), dtype=jnp.float32)
    # Learned parameters: e3nn FullyConnectedNet([num_basis, 256, tp.weight_numel], relu)
    # stores unit-variance weights and normalizes inside the layer.
    W1 = jax.random.normal(ks[5], (NUM_BASIS, HIDDEN), dtype=jnp.float32)
    W2 = jax.random.normal(ks[6], (HIDDEN, WEIGHT_NUMEL), dtype=jnp.float32)
    return {
        'node_features': node_features,
        'edge_src': edge_src,
        'edge_dst': edge_dst,
        'edge_sh': edge_sh,
        'edge_scalars': edge_scalars,
        'W1': W1,
        'W2': W2,
    }


def _fc(edge_scalars, W1, W2):
    # e3nn.nn.FullyConnectedNet: x @ W / sqrt(fan_in), variance-normalized relu
    h = edge_scalars @ W1 / jnp.sqrt(jnp.float32(NUM_BASIS))
    h = jax.nn.relu(h) * jnp.sqrt(2.0)  # E[relu(N(0,1))^2] = 1/2 -> normalize second moment
    out = h @ W2 / jnp.sqrt(jnp.float32(HIDDEN))
    return out


def _tp(x1, edge_sh, weight):
    # FullyConnectedTensorProduct('16x0e', '1x0e+1x1o', '16x0e+16x1o',
    #                             internal_weights=False, shared_weights=False)
    # Paths (CG coefficients are trivial since in1 is scalar):
    #   0e(16) x 0e(1) -> 0e(16)   weights w0[E, 16, 16]
    #   0e(16) x 1o(1) -> 1o(16)   weights w1[E, 16, 16]
    E = x1.shape[0]
    w = weight.reshape(E, 2, MUL, MUL)
    alpha = 1.0 / jnp.sqrt(jnp.float32(MUL))  # path normalization, fan_in = mul1 * mul2 = 16
    y0 = jnp.einsum('ei,eik->ek', x1, w[:, 0]) * alpha            # [E, 16]
    y1 = jnp.einsum('ei,eik->ek', x1, w[:, 1]) * alpha            # [E, 16]
    out0 = y0 * edge_sh[:, 0:1]                                   # scalar part
    out1 = y1[:, :, None] * edge_sh[:, None, 1:4]                 # vector part [E, 16, 3]
    return jnp.concatenate([out0, out1.reshape(E, 3 * MUL)], axis=1)  # [E, 64]


def reference(node_features, edge_src, edge_dst, edge_sh, edge_scalars, W1, W2):
    weight = _fc(edge_scalars, W1, W2)                # [E, weight_numel]
    x_src = jnp.take(node_features, edge_src, axis=0) # gather [E, 16]
    edge_features = _tp(x_src, edge_sh, weight)       # [E, 64]
    out = jax.ops.segment_sum(edge_features, edge_dst, num_segments=N_NODES)
    out = out / jnp.sqrt(jnp.float32(N_EDGES) / jnp.float32(N_NODES))
    return out


if False:  # reference __main__ guard neutralized (emitter)
    inp = setup_inputs()
    y = reference(**inp)
    print(y.shape, y.dtype)

if __name__ == "__main__":
    import jax
    _d = setup_inputs()
    print(jax.jit(kernel)(*tuple(_d.values())))

</pallas_src>

<mosaic_0001>
#map = affine_map<(d0, d1) -> (0, 0)>
module attributes {stable_mosaic.version = 14 : i64} {
  func.func @gather_k(%arg0: i32, %arg1: i32, %arg2: memref<10000x16xf32, #tpu.memory_space<hbm>>, %arg3: memref<1250x128xi32, #tpu.memory_space<hbm>>, %arg4: memref<160000x16xf32, #tpu.memory_space<hbm>>, %arg5: memref<40x128xi32, #tpu.memory_space<vmem>>, %arg6: memref<5120x16xf32, #tpu.memory_space<vmem>>, %arg7: memref<!tpu.dma_semaphore, #tpu.memory_space<semaphore_mem>>) attributes {dimension_semantics = [#tpu.dimension_semantics<core_parallel>, #tpu.dimension_semantics<subcore_parallel>], iteration_bounds = array<i64: 2, 16>, scalar_prefetch = 0 : i64, scratch_operands = 3 : i64, tpu.core_type = #tpu.core_type<sc_vector_subcore>, window_params = [{transform_indices = #map}, {transform_indices = #map}, {transform_indices = #map}]} {
    %mul3A = arith.constant 2 : i32
    %mul3A_0 = arith.muli %arg1, %mul3A : i32
    %add3A = arith.addi %mul3A_0, %arg0 : i32
    %mul3A_1 = arith.constant 39 : i32
    %mul3A_2 = arith.muli %add3A, %mul3A_1 : i32
    "tpu.region"() ({
      %run_scoped3A = tpu.sem_alloc : memref<!tpu.dma_semaphore, #tpu.memory_space<semaphore_mem>>
      %dma_start3A = arith.constant 0 : i32
      %dma_start3A_12 = arith.constant 0 : i32
      %dma_start3A_13 = tpu.memref_slice %arg5[%dma_start3A, %dma_start3A_12] : memref<40x128xi32, #tpu.memory_space<vmem>> -> memref<39x128xi32, #tpu.memory_space<vmem>>
      %dma_start3A_14 = arith.constant 0 : i32
      %dma_start3A_15 = tpu.memref_slice %arg3[%mul3A_2, %dma_start3A_14] : memref<1250x128xi32, #tpu.memory_space<hbm>> -> memref<39x128xi32, #tpu.memory_space<hbm>>
      %dma_start3A_16 = arith.constant 0 : i32
      %dma_start3A_17 = arith.constant 0 : i32
      %dma_start3A_18 = tpu.memref_slice %arg5[%dma_start3A_16, %dma_start3A_17] : memref<40x128xi32, #tpu.memory_space<vmem>> -> memref<39x128xi32, #tpu.memory_space<vmem>>
      %dma_start3A_19 = arith.constant 0 : i32
      %dma_start3A_20 = tpu.memref_slice %arg3[%mul3A_2, %dma_start3A_19] : memref<1250x128xi32, #tpu.memory_space<hbm>> -> memref<39x128xi32, #tpu.memory_space<hbm>>
      tpu.enqueue_dma source(%dma_start3A_20 : memref<39x128xi32, #tpu.memory_space<hbm>>) target(%dma_start3A_18 : memref<39x128xi32, #tpu.memory_space<vmem>>) target_semaphore(%run_scoped3A : memref<!tpu.dma_semaphore, #tpu.memory_space<semaphore_mem>>)
      %dma_wait3A = arith.constant 0 : i32
      %dma_wait3A_21 = arith.constant 0 : i32
      %dma_wait3A_22 = tpu.memref_slice %arg5[%dma_wait3A, %dma_wait3A_21] : memref<40x128xi32, #tpu.memory_space<vmem>> -> memref<39x128xi32, #tpu.memory_space<vmem>>
      %dma_wait3A_23 = arith.constant 0 : i32
      %dma_wait3A_24 = tpu.memref_slice %arg3[%mul3A_2, %dma_wait3A_23] : memref<1250x128xi32, #tpu.memory_space<hbm>> -> memref<39x128xi32, #tpu.memory_space<hbm>>
      %dma_wait3A_25 = arith.constant 0 : i32
      %dma_wait3A_26 = arith.constant 0 : i32
      %dma_wait3A_27 = tpu.memref_slice %arg5[%dma_wait3A_25, %dma_wait3A_26] : memref<40x128xi32, #tpu.memory_space<vmem>> -> memref<39x128xi32, #tpu.memory_space<vmem>>
      %dma_wait3A_28 = arith.constant 0 : i32
      %dma_wait3A_29 = tpu.memref_slice %arg3[%mul3A_2, %dma_wait3A_28] : memref<1250x128xi32, #tpu.memory_space<hbm>> -> memref<39x128xi32, #tpu.memory_space<hbm>>
      tpu.wait_dma2 semaphore(%run_scoped3A : memref<!tpu.dma_semaphore, #tpu.memory_space<semaphore_mem>>) src(%dma_wait3A_29 : memref<39x128xi32, #tpu.memory_space<hbm>>) dst(%dma_wait3A_27 : memref<39x128xi32, #tpu.memory_space<vmem>>)
      tpu.yield
    }) : () -> ()
    %scan3A = arith.constant 0 : i32
    %scan3A_3 = arith.constant 0 : i32
    %scan3A_4 = arith.constant 3 : i32
    %scan3A_5 = arith.addi %scan3A_3, %scan3A_4 : i32
    %scan3A_6 = arith.constant 1 : i32
    scf.for %scan3A_12 = %scan3A_3 to %scan3A_5 step %scan3A_6  : i32 {
      %mul3A_13 = arith.constant 13 : i32
      %mul3A_14 = arith.muli %scan3A_12, %mul3A_13 : i32
      %add3A_15 = arith.constant 0 : i32
      %add3A_16 = arith.addi %mul3A_14, %add3A_15 : i32
      %mul3A_17 = arith.constant 128 : i32
      %mul3A_18 = arith.muli %add3A_16, %mul3A_17 : i32
      %dma_start3A = arith.constant 0 : i32
      %dma_start3A_19 = tpu.memref_slice %arg6[%mul3A_18, %dma_start3A] : memref<5120x16xf32, #tpu.memory_space<vmem>> -> memref<128x16xf32, #tpu.memory_space<vmem>>
      %dma_start3A_20 = arith.constant 0 : i32
      %dma_start3A_21 = tpu.memref_slice %arg5[%add3A_16, %dma_start3A_20] : memref<40x128xi32, #tpu.memory_space<vmem>> -> memref<1x128xi32, #tpu.memory_space<vmem>>
      %dma_start3A_22 = tpu.memref_squeeze %dma_start3A_21 : memref<1x128xi32, #tpu.memory_space<vmem>> -> memref<128xi32, #tpu.memory_space<vmem>>
      %dma_start3A_23 = arith.constant 0 : i32
      %dma_start3A_24 = arith.constant 0 : i32
      %dma_start3A_25 = tpu.memref_slice %arg2[%dma_start3A_23, %dma_start3A_24] : memref<10000x16xf32, #tpu.memory_space<hbm>> -> memref<10000x16xf32, #tpu.memory_space<hbm>>
      tpu.enqueue_indirect_dma source(%dma_start3A_25 : memref<10000x16xf32, #tpu.memory_space<hbm>>) target(%dma_start3A_19 : memref<128x16xf32, #tpu.memory_space<vmem>>) offsets(%dma_start3A_22 : memref<128xi32, #tpu.memory_space<vmem>>) semaphore(%arg7 : memref<!tpu.dma_semaphore, #tpu.memory_space<semaphore_mem>>)
      %add3A_26 = arith.constant 1 : i32
      %add3A_27 = arith.addi %mul3A_14, %add3A_26 : i32
      %mul3A_28 = arith.constant 128 : i32
      %mul3A_29 = arith.muli %add3A_27, %mul3A_28 : i32
      %dma_start3A_30 = arith.constant 0 : i32
      %dma_start3A_31 = tpu.memref_slice %arg6[%mul3A_29, %dma_start3A_30] : memref<5120x16xf32, #tpu.memory_space<vmem>> -> memref<128x16xf32, #tpu.memory_space<vmem>>
      %dma_start3A_32 = arith.constant 0 : i32
      %dma_start3A_33 = tpu.memref_slice %arg5[%add3A_27, %dma_start3A_32] : memref<40x128xi32, #tpu.memory_space<vmem>> -> memref<1x128xi32, #tpu.memory_space<vmem>>
      %dma_start3A_34 = tpu.memref_squeeze %dma_start3A_33 : memref<1x128xi32, #tpu.memory_space<vmem>> -> memref<128xi32, #tpu.memory_space<vmem>>
      %dma_start3A_35 = arith.constant 0 : i32
      %dma_start3A_36 = arith.constant 0 : i32
      %dma_start3A_37 = tpu.memref_slice %arg2[%dma_start3A_35, %dma_start3A_36] : memref<10000x16xf32, #tpu.memory_space<hbm>> -> memref<10000x16xf32, #tpu.memory_space<hbm>>
      tpu.enqueue_indirect_dma source(%dma_start3A_37 : memref<10000x16xf32, #tpu.memory_space<hbm>>) target(%dma_start3A_31 : memref<128x16xf32, #tpu.memory_space<vmem>>) offsets(%dma_start3A_34 : memref<128xi32, #tpu.memory_space<vmem>>) semaphore(%arg7 : memref<!tpu.dma_semaphore, #tpu.memory_space<semaphore_mem>>)
      %add3A_38 = arith.constant 2 : i32
      %add3A_39 = arith.addi %mul3A_14, %add3A_38 : i32
      %mul3A_40 = arith.constant 128 : i32
      %mul3A_41 = arith.muli %add3A_39, %mul3A_40 : i32
      %dma_start3A_42 = arith.constant 0 : i32
      %dma_start3A_43 = tpu.memref_slice %arg6[%mul3A_41, %dma_start3A_42] : memref<5120x16xf32, #tpu.memory_space<vmem>> -> memref<128x16xf32, #tpu.memory_space<vmem>>
      %dma_start3A_44 = arith.constant 0 : i32
      %dma_start3A_45 = tpu.memref_slice %arg5[%add3A_39, %dma_start3A_44] : memref<40x128xi32, #tpu.memory_space<vmem>> -> memref<1x128xi32, #tpu.memory_space<vmem>>
      %dma_start3A_46 = tpu.memref_squeeze %dma_start3A_45 : memref<1x128xi32, #tpu.memory_space<vmem>> -> memref<128xi32, #tpu.memory_space<vmem>>
      %dma_start3A_47 = arith.constant 0 : i32
      %dma_start3A_48 = arith.constant 0 : i32
      %dma_start3A_49 = tpu.memref_slice %arg2[%dma_start3A_47, %dma_start3A_48] : memref<10000x16xf32, #tpu.memory_space<hbm>> -> memref<10000x16xf32, #tpu.memory_space<hbm>>
      tpu.enqueue_indirect_dma source(%dma_start3A_49 : memref<10000x16xf32, #tpu.memory_space<hbm>>) target(%dma_start3A_43 : memref<128x16xf32, #tpu.memory_space<vmem>>) offsets(%dma_start3A_46 : memref<128xi32, #tpu.memory_space<vmem>>) semaphore(%arg7 : memref<!tpu.dma_semaphore, #tpu.memory_space<semaphore_mem>>)
      %add3A_50 = arith.constant 3 : i32
      %add3A_51 = arith.addi %mul3A_14, %add3A_50 : i32
      %mul3A_52 = arith.constant 128 : i32
      %mul3A_53 = arith.muli %add3A_51, %mul3A_52 : i32
      %dma_start3A_54 = arith.constant 0 : i32
      %dma_start3A_55 = tpu.memref_slice %arg6[%mul3A_53, %dma_start3A_54] : memref<5120x16xf32, #tpu.memory_space<vmem>> -> memref<128x16xf32, #tpu.memory_space<vmem>>
      %dma_start3A_56 = arith.constant 0 : i32
      %dma_start3A_57 = tpu.memref_slice %arg5[%add3A_51, %dma_start3A_56] : memref<40x128xi32, #tpu.memory_space<vmem>> -> memref<1x128xi32, #tpu.memory_space<vmem>>
      %dma_start3A_58 = tpu.memref_squeeze %dma_start3A_57 : memref<1x128xi32, #tpu.memory_space<vmem>> -> memref<128xi32, #tpu.memory_space<vmem>>
      %dma_start3A_59 = arith.constant 0 : i32
      %dma_start3A_60 = arith.constant 0 : i32
      %dma_start3A_61 = tpu.memref_slice %arg2[%dma_start3A_59, %dma_start3A_60] : memref<10000x16xf32, #tpu.memory_space<hbm>> -> memref<10000x16xf32, #tpu.memory_space<hbm>>
      tpu.enqueue_indirect_dma source(%dma_start3A_61 : memref<10000x16xf32, #tpu.memory_space<hbm>>) target(%dma_start3A_55 : memref<128x16xf32, #tpu.memory_space<vmem>>) offsets(%dma_start3A_58 : memref<128xi32, #tpu.memory_space<vmem>>) semaphore(%arg7 : memref<!tpu.dma_semaphore, #tpu.memory_space<semaphore_mem>>)
      %add3A_62 = arith.constant 4 : i32
      %add3A_63 = arith.addi %mul3A_14, %add3A_62 : i32
      %mul3A_64 = arith.constant 128 : i32
      %mul3A_65 = arith.muli %add3A_63, %mul3A_64 : i32
      %dma_start3A_66 = arith.constant 0 : i32
      %dma_start3A_67 = tpu.memref_slice %arg6[%mul3A_65, %dma_start3A_66] : memref<5120x16xf32, #tpu.memory_space<vmem>> -> memref<128x16xf32, #tpu.memory_space<vmem>>
      %dma_start3A_68 = arith.constant 0 : i32
      %dma_start3A_69 = tpu.memref_slice %arg5[%add3A_63, %dma_start3A_68] : memref<40x128xi32, #tpu.memory_space<vmem>> -> memref<1x128xi32, #tpu.memory_space<vmem>>
      %dma_start3A_70 = tpu.memref_squeeze %dma_start3A_69 : memref<1x128xi32, #tpu.memory_space<vmem>> -> memref<128xi32, #tpu.memory_space<vmem>>
      %dma_start3A_71 = arith.constant 0 : i32
      %dma_start3A_72 = arith.constant 0 : i32
      %dma_start3A_73 = tpu.memref_slice %arg2[%dma_start3A_71, %dma_start3A_72] : memref<10000x16xf32, #tpu.memory_space<hbm>> -> memref<10000x16xf32, #tpu.memory_space<hbm>>
      tpu.enqueue_indirect_dma source(%dma_start3A_73 : memref<10000x16xf32, #tpu.memory_space<hbm>>) target(%dma_start3A_67 : memref<128x16xf32, #tpu.memory_space<vmem>>) offsets(%dma_start3A_70 : memref<128xi32, #tpu.memory_space<vmem>>) semaphore(%arg7 : memref<!tpu.dma_semaphore, #tpu.memory_space<semaphore_mem>>)
      %add3A_74 = arith.constant 5 : i32
      %add3A_75 = arith.addi %mul3A_14, %add3A_74 : i32
      %mul3A_76 = arith.constant 128 : i32
      %mul3A_77 = arith.muli %add3A_75, %mul3A_76 : i32
      %dma_start3A_78 = arith.constant 0 : i32
      %dma_start3A_79 = tpu.memref_slice %arg6[%mul3A_77, %dma_start3A_78] : memref<5120x16xf32, #tpu.memory_space<vmem>> -> memref<128x16xf32, #tpu.memory_space<vmem>>
      %dma_start3A_80 = arith.constant 0 : i32
      %dma_start3A_81 = tpu.memref_slice %arg5[%add3A_75, %dma_start3A_80] : memref<40x128xi32, #tpu.memory_space<vmem>> -> memref<1x128xi32, #tpu.memory_space<vmem>>
      %dma_start3A_82 = tpu.memref_squeeze %dma_start3A_81 : memref<1x128xi32, #tpu.memory_space<vmem>> -> memref<128xi32, #tpu.memory_space<vmem>>
      %dma_start3A_83 = arith.constant 0 : i32
      %dma_start3A_84 = arith.constant 0 : i32
      %dma_start3A_85 = tpu.memref_slice %arg2[%dma_start3A_83, %dma_start3A_84] : memref<10000x16xf32, #tpu.memory_space<hbm>> -> memref<10000x16xf32, #tpu.memory_space<hbm>>
      tpu.enqueue_indirect_dma source(%dma_start3A_85 : memref<10000x16xf32, #tpu.memory_space<hbm>>) target(%dma_start3A_79 : memref<128x16xf32, #tpu.memory_space<vmem>>) offsets(%dma_start3A_82 : memref<128xi32, #tpu.memory_space<vmem>>) semaphore(%arg7 : memref<!tpu.dma_semaphore, #tpu.memory_space<semaphore_mem>>)
      %add3A_86 = arith.constant 6 : i32
      %add3A_87 = arith.addi %mul3A_14, %add3A_86 : i32
      %mul3A_88 = arith.constant 128 : i32
      %mul3A_89 = arith.muli %add3A_87, %mul3A_88 : i32
      %dma_start3A_90 = arith.constant 0 : i32
      %dma_start3A_91 = tpu.memref_slice %arg6[%mul3A_89, %dma_start3A_90] : memref<5120x16xf32, #tpu.memory_space<vmem>> -> memref<128x16xf32, #tpu.memory_space<vmem>>
      %dma_start3A_92 = arith.constant 0 : i32
      %dma_start3A_93 = tpu.memref_slice %arg5[%add3A_87, %dma_start3A_92] : memref<40x128xi32, #tpu.memory_space<vmem>> -> memref<1x128xi32, #tpu.memory_space<vmem>>
      %dma_start3A_94 = tpu.memref_squeeze %dma_start3A_93 : memref<1x128xi32, #tpu.memory_space<vmem>> -> memref<128xi32, #tpu.memory_space<vmem>>
      %dma_start3A_95 = arith.constant 0 : i32
      %dma_start3A_96 = arith.constant 0 : i32
      %dma_start3A_97 = tpu.memref_slice %arg2[%dma_start3A_95, %dma_start3A_96] : memref<10000x16xf32, #tpu.memory_space<hbm>> -> memref<10000x16xf32, #tpu.memory_space<hbm>>
      tpu.enqueue_indirect_dma source(%dma_start3A_97 : memref<10000x16xf32, #tpu.memory_space<hbm>>) target(%dma_start3A_91 : memref<128x16xf32, #tpu.memory_space<vmem>>) offsets(%dma_start3A_94 : memref<128xi32, #tpu.memory_space<vmem>>) semaphore(%arg7 : memref<!tpu.dma_semaphore, #tpu.memory_space<semaphore_mem>>)
      %add3A_98 = arith.constant 7 : i32
      %add3A_99 = arith.addi %mul3A_14, %add3A_98 : i32
      %mul3A_100 = arith.constant 128 : i32
      %mul3A_101 = arith.muli %add3A_99, %mul3A_100 : i32
      %dma_start3A_102 = arith.constant 0 : i32
      %dma_start3A_103 = tpu.memref_slice %arg6[%mul3A_101, %dma_start3A_102] : memref<5120x16xf32, #tpu.memory_space<vmem>> -> memref<128x16xf32, #tpu.memory_space<vmem>>
      %dma_start3A_104 = arith.constant 0 : i32
      %dma_start3A_105 = tpu.memref_slice %arg5[%add3A_99, %dma_start3A_104] : memref<40x128xi32, #tpu.memory_space<vmem>> -> memref<1x128xi32, #tpu.memory_space<vmem>>
      %dma_start3A_106 = tpu.memref_squeeze %dma_start3A_105 : memref<1x128xi32, #tpu.memory_space<vmem>> -> memref<128xi32, #tpu.memory_space<vmem>>
      %dma_start3A_107 = arith.constant 0 : i32
      %dma_start3A_108 = arith.constant 0 : i32
      %dma_start3A_109 = tpu.memref_slice %arg2[%dma_start3A_107, %dma_start3A_108] : memref<10000x16xf32, #tpu.memory_space<hbm>> -> memref<10000x16xf32, #tpu.memory_space<hbm>>
      tpu.enqueue_indirect_dma source(%dma_start3A_109 : memref<10000x16xf32, #tpu.memory_space<hbm>>) target(%dma_start3A_103 : memref<128x16xf32, #tpu.memory_space<vmem>>) offsets(%dma_start3A_106 : memref<128xi32, #tpu.memory_space<vmem>>) semaphore(%arg7 : memref<!tpu.dma_semaphore, #tpu.memory_space<semaphore_mem>>)
      %add3A_110 = arith.constant 8 : i32
      %add3A_111 = arith.addi %mul3A_14, %add3A_110 : i32
      %mul3A_112 = arith.constant 128 : i32
      %mul3A_113 = arith.muli %add3A_111, %mul3A_112 : i32
      %dma_start3A_114 = arith.constant 0 : i32
      %dma_start3A_115 = tpu.memref_slice %arg6[%mul3A_113, %dma_start3A_114] : memref<5120x16xf32, #tpu.memory_space<vmem>> -> memref<128x16xf32, #tpu.memory_space<vmem>>
      %dma_start3A_116 = arith.constant 0 : i32
      %dma_start3A_117 = tpu.memref_slice %arg5[%add3A_111, %dma_start3A_116] : memref<40x128xi32, #tpu.memory_space<vmem>> -> memref<1x128xi32, #tpu.memory_space<vmem>>
      %dma_start3A_118 = tpu.memref_squeeze %dma_start3A_117 : memref<1x128xi32, #tpu.memory_space<vmem>> -> memref<128xi32, #tpu.memory_space<vmem>>
      %dma_start3A_119 = arith.constant 0 : i32
      %dma_start3A_120 = arith.constant 0 : i32
      %dma_start3A_121 = tpu.memref_slice %arg2[%dma_start3A_119, %dma_start3A_120] : memref<10000x16xf32, #tpu.memory_space<hbm>> -> memref<10000x16xf32, #tpu.memory_space<hbm>>
      tpu.enqueue_indirect_dma source(%dma_start3A_121 : memref<10000x16xf32, #tpu.memory_space<hbm>>) target(%dma_start3A_115 : memref<128x16xf32, #tpu.memory_space<vmem>>) offsets(%dma_start3A_118 : memref<128xi32, #tpu.memory_space<vmem>>) semaphore(%arg7 : memref<!tpu.dma_semaphore, #tpu.memory_space<semaphore_mem>>)
      %add3A_122 = arith.constant 9 : i32
      %add3A_123 = arith.addi %mul3A_14, %add3A_122 : i32
      %mul3A_124 = arith.constant 128 : i32
      %mul3A_125 = arith.muli %add3A_123, %mul3A_124 : i32
      %dma_start3A_126 = arith.constant 0 : i32
      %dma_start3A_127 = tpu.memref_slice %arg6[%mul3A_125, %dma_start3A_126] : memref<5120x16xf32, #tpu.memory_space<vmem>> -> memref<128x16xf32, #tpu.memory_space<vmem>>
      %dma_start3A_128 = arith.constant 0 : i32
      %dma_start3A_129 = tpu.memref_slice %arg5[%add3A_123, %dma_start3A_128] : memref<40x128xi32, #tpu.memory_space<vmem>> -> memref<1x128xi32, #tpu.memory_space<vmem>>
      %dma_start3A_130 = tpu.memref_squeeze %dma_start3A_129 : memref<1x128xi32, #tpu.memory_space<vmem>> -> memref<128xi32, #tpu.memory_space<vmem>>
      %dma_start3A_131 = arith.constant 0 : i32
      %dma_start3A_132 = arith.constant 0 : i32
      %dma_start3A_133 = tpu.memref_slice %arg2[%dma_start3A_131, %dma_start3A_132] : memref<10000x16xf32, #tpu.memory_space<hbm>> -> memref<10000x16xf32, #tpu.memory_space<hbm>>
      tpu.enqueue_indirect_dma source(%dma_start3A_133 : memref<10000x16xf32, #tpu.memory_space<hbm>>) target(%dma_start3A_127 : memref<128x16xf32, #tpu.memory_space<vmem>>) offsets(%dma_start3A_130 : memref<128xi32, #tpu.memory_space<vmem>>) semaphore(%arg7 : memref<!tpu.dma_semaphore, #tpu.memory_space<semaphore_mem>>)
      %add3A_134 = arith.constant 10 : i32
      %add3A_135 = arith.addi %mul3A_14, %add3A_134 : i32
      %mul3A_136 = arith.constant 128 : i32
      %mul3A_137 = arith.muli %add3A_135, %mul3A_136 : i32
      %dma_start3A_138 = arith.constant 0 : i32
      %dma_start3A_139 = tpu.memref_slice %arg6[%mul3A_137, %dma_start3A_138] : memref<5120x16xf32, #tpu.memory_space<vmem>> -> memref<128x16xf32, #tpu.memory_space<vmem>>
      %dma_start3A_140 = arith.constant 0 : i32
      %dma_start3A_141 = tpu.memref_slice %arg5[%add3A_135, %dma_start3A_140] : memref<40x128xi32, #tpu.memory_space<vmem>> -> memref<1x128xi32, #tpu.memory_space<vmem>>
      %dma_start3A_142 = tpu.memref_squeeze %dma_start3A_141 : memref<1x128xi32, #tpu.memory_space<vmem>> -> memref<128xi32, #tpu.memory_space<vmem>>
      %dma_start3A_143 = arith.constant 0 : i32
      %dma_start3A_144 = arith.constant 0 : i32
      %dma_start3A_145 = tpu.memref_slice %arg2[%dma_start3A_143, %dma_start3A_144] : memref<10000x16xf32, #tpu.memory_space<hbm>> -> memref<10000x16xf32, #tpu.memory_space<hbm>>
      tpu.enqueue_indirect_dma source(%dma_start3A_145 : memref<10000x16xf32, #tpu.memory_space<hbm>>) target(%dma_start3A_139 : memref<128x16xf32, #tpu.memory_space<vmem>>) offsets(%dma_start3A_142 : memref<128xi32, #tpu.memory_space<vmem>>) semaphore(%arg7 : memref<!tpu.dma_semaphore, #tpu.memory_space<semaphore_mem>>)
      %add3A_146 = arith.constant 11 : i32
      %add3A_147 = arith.addi %mul3A_14, %add3A_146 : i32
      %mul3A_148 = arith.constant 128 : i32
      %mul3A_149 = arith.muli %add3A_147, %mul3A_148 : i32
      %dma_start3A_150 = arith.constant 0 : i32
      %dma_start3A_151 = tpu.memref_slice %arg6[%mul3A_149, %dma_start3A_150] : memref<5120x16xf32, #tpu.memory_space<vmem>> -> memref<128x16xf32, #tpu.memory_space<vmem>>
      %dma_start3A_152 = arith.constant 0 : i32
      %dma_start3A_153 = tpu.memref_slice %arg5[%add3A_147, %dma_start3A_152] : memref<40x128xi32, #tpu.memory_space<vmem>> -> memref<1x128xi32, #tpu.memory_space<vmem>>
      %dma_start3A_154 = tpu.memref_squeeze %dma_start3A_153 : memref<1x128xi32, #tpu.memory_space<vmem>> -> memref<128xi32, #tpu.memory_space<vmem>>
      %dma_start3A_155 = arith.constant 0 : i32
      %dma_start3A_156 = arith.constant 0 : i32
      %dma_start3A_157 = tpu.memref_slice %arg2[%dma_start3A_155, %dma_start3A_156] : memref<10000x16xf32, #tpu.memory_space<hbm>> -> memref<10000x16xf32, #tpu.memory_space<hbm>>
      tpu.enqueue_indirect_dma source(%dma_start3A_157 : memref<10000x16xf32, #tpu.memory_space<hbm>>) target(%dma_start3A_151 : memref<128x16xf32, #tpu.memory_space<vmem>>) offsets(%dma_start3A_154 : memref<128xi32, #tpu.memory_space<vmem>>) semaphore(%arg7 : memref<!tpu.dma_semaphore, #tpu.memory_space<semaphore_mem>>)
      %add3A_158 = arith.constant 12 : i32
      %add3A_159 = arith.addi %mul3A_14, %add3A_158 : i32
      %mul3A_160 = arith.constant 128 : i32
      %mul3A_161 = arith.muli %add3A_159, %mul3A_160 : i32
      %dma_start3A_162 = arith.constant 0 : i32
      %dma_start3A_163 = tpu.memref_slice %arg6[%mul3A_161, %dma_start3A_162] : memref<5120x16xf32, #tpu.memory_space<vmem>> -> memref<128x16xf32, #tpu.memory_space<vmem>>
      %dma_start3A_164 = arith.constant 0 : i32
      %dma_start3A_165 = tpu.memref_slice %arg5[%add3A_159, %dma_start3A_164] : memref<40x128xi32, #tpu.memory_space<vmem>> -> memref<1x128xi32, #tpu.memory_space<vmem>>
      %dma_start3A_166 = tpu.memref_squeeze %dma_start3A_165 : memref<1x128xi32, #tpu.memory_space<vmem>> -> memref<128xi32, #tpu.memory_space<vmem>>
      %dma_start3A_167 = arith.constant 0 : i32
      %dma_start3A_168 = arith.constant 0 : i32
      %dma_start3A_169 = tpu.memref_slice %arg2[%dma_start3A_167, %dma_start3A_168] : memref<10000x16xf32, #tpu.memory_space<hbm>> -> memref<10000x16xf32, #tpu.memory_space<hbm>>
      tpu.enqueue_indirect_dma source(%dma_start3A_169 : memref<10000x16xf32, #tpu.memory_space<hbm>>) target(%dma_start3A_163 : memref<128x16xf32, #tpu.memory_space<vmem>>) offsets(%dma_start3A_166 : memref<128xi32, #tpu.memory_space<vmem>>) semaphore(%arg7 : memref<!tpu.dma_semaphore, #tpu.memory_space<semaphore_mem>>)
      %dma_wait3A = arith.constant 0 : i32
      %dma_wait3A_170 = tpu.memref_slice %arg6[%mul3A_18, %dma_wait3A] : memref<5120x16xf32, #tpu.memory_space<vmem>> -> memref<128x16xf32, #tpu.memory_space<vmem>>
      %dma_wait3A_171 = arith.constant 0 : i32
      %dma_wait3A_172 = tpu.memref_slice %arg5[%add3A_16, %dma_wait3A_171] : memref<40x128xi32, #tpu.memory_space<vmem>> -> memref<1x128xi32, #tpu.memory_space<vmem>>
      %dma_wait3A_173 = tpu.memref_squeeze %dma_wait3A_172 : memref<1x128xi32, #tpu.memory_space<vmem>> -> memref<128xi32, #tpu.memory_space<vmem>>
      %dma_wait3A_174 = arith.constant 0 : i32
      %dma_wait3A_175 = arith.constant 0 : i32
      %dma_wait3A_176 = tpu.memref_slice %arg2[%dma_wait3A_174, %dma_wait3A_175] : memref<10000x16xf32, #tpu.memory_space<hbm>> -> memref<10000x16xf32, #tpu.memory_space<hbm>>
      tpu.wait_indirect_dma semaphore(%arg7 : memref<!tpu.dma_semaphore, #tpu.memory_space<semaphore_mem>>) src(%dma_wait3A_176 : memref<10000x16xf32, #tpu.memory_space<hbm>>) dst(%dma_wait3A_170 : memref<128x16xf32, #tpu.memory_space<vmem>>)
      %dma_wait3A_177 = arith.constant 0 : i32
      %dma_wait3A_178 = tpu.memref_slice %arg6[%mul3A_29, %dma_wait3A_177] : memref<5120x16xf32, #tpu.memory_space<vmem>> -> memref<128x16xf32, #tpu.memory_space<vmem>>
      %dma_wait3A_179 = arith.constant 0 : i32
      %dma_wait3A_180 = tpu.memref_slice %arg5[%add3A_27, %dma_wait3A_179] : memref<40x128xi32, #tpu.memory_space<vmem>> -> memref<1x128xi32, #tpu.memory_space<vmem>>
      %dma_wait3A_181 = tpu.memref_squeeze %dma_wait3A_180 : memref<1x128xi32, #tpu.memory_space<vmem>> -> memref<128xi32, #tpu.memory_space<vmem>>
      %dma_wait3A_182 = arith.constant 0 : i32
      %dma_wait3A_183 = arith.constant 0 : i32
      %dma_wait3A_184 = tpu.memref_slice %arg2[%dma_wait3A_182, %dma_wait3A_183] : memref<10000x16xf32, #tpu.memory_space<hbm>> -> memref<10000x16xf32, #tpu.memory_space<hbm>>
      tpu.wait_indirect_dma semaphore(%arg7 : memref<!tpu.dma_semaphore, #tpu.memory_space<semaphore_mem>>) src(%dma_wait3A_184 : memref<10000x16xf32, #tpu.memory_space<hbm>>) dst(%dma_wait3A_178 : memref<128x16xf32, #tpu.memory_space<vmem>>)
      %dma_wait3A_185 = arith.constant 0 : i32
      %dma_wait3A_186 = tpu.memref_slice %arg6[%mul3A_41, %dma_wait3A_185] : memref<5120x16xf32, #tpu.memory_space<vmem>> -> memref<128x16xf32, #tpu.memory_space<vmem>>
      %dma_wait3A_187 = arith.constant 0 : i32
      %dma_wait3A_188 = tpu.memref_slice %arg5[%add3A_39, %dma_wait3A_187] : memref<40x128xi32, #tpu.memory_space<vmem>> -> memref<1x128xi32, #tpu.memory_space<vmem>>
      %dma_wait3A_189 = tpu.memref_squeeze %dma_wait3A_188 : memref<1x128xi32, #tpu.memory_space<vmem>> -> memref<128xi32, #tpu.memory_space<vmem>>
      %dma_wait3A_190 = arith.constant 0 : i32
      %dma_wait3A_191 = arith.constant 0 : i32
      %dma_wait3A_192 = tpu.memref_slice %arg2[%dma_wait3A_190, %dma_wait3A_191] : memref<10000x16xf32, #tpu.memory_space<hbm>> -> memref<10000x16xf32, #tpu.memory_space<hbm>>
      tpu.wait_indirect_dma semaphore(%arg7 : memref<!tpu.dma_semaphore, #tpu.memory_space<semaphore_mem>>) src(%dma_wait3A_192 : memref<10000x16xf32, #tpu.memory_space<hbm>>) dst(%dma_wait3A_186 : memref<128x16xf32, #tpu.memory_space<vmem>>)
      %dma_wait3A_193 = arith.constant 0 : i32
      %dma_wait3A_194 = tpu.memref_slice %arg6[%mul3A_53, %dma_wait3A_193] : memref<5120x16xf32, #tpu.memory_space<vmem>> -> memref<128x16xf32, #tpu.memory_space<vmem>>
      %dma_wait3A_195 = arith.constant 0 : i32
      %dma_wait3A_196 = tpu.memref_slice %arg5[%add3A_51, %dma_wait3A_195] : memref<40x128xi32, #tpu.memory_space<vmem>> -> memref<1x128xi32, #tpu.memory_space<vmem>>
      %dma_wait3A_197 = tpu.memref_squeeze %dma_wait3A_196 : memref<1x128xi32, #tpu.memory_space<vmem>> -> memref<128xi32, #tpu.memory_space<vmem>>
      %dma_wait3A_198 = arith.constant 0 : i32
      %dma_wait3A_199 = arith.constant 0 : i32
      %dma_wait3A_200 = tpu.memref_slice %arg2[%dma_wait3A_198, %dma_wait3A_199] : memref<10000x16xf32, #tpu.memory_space<hbm>> -> memref<10000x16xf32, #tpu.memory_space<hbm>>
      tpu.wait_indirect_dma semaphore(%arg7 : memref<!tpu.dma_semaphore, #tpu.memory_space<semaphore_mem>>) src(%dma_wait3A_200 : memref<10000x16xf32, #tpu.memory_space<hbm>>) dst(%dma_wait3A_194 : memref<128x16xf32, #tpu.memory_space<vmem>>)
      %dma_wait3A_201 = arith.constant 0 : i32
      %dma_wait3A_202 = tpu.memref_slice %arg6[%mul3A_65, %dma_wait3A_201] : memref<5120x16xf32, #tpu.memory_space<vmem>> -> memref<128x16xf32, #tpu.memory_space<vmem>>
      %dma_wait3A_203 = arith.constant 0 : i32
      %dma_wait3A_204 = tpu.memref_slice %arg5[%add3A_63, %dma_wait3A_203] : memref<40x128xi32, #tpu.memory_space<vmem>> -> memref<1x128xi32, #tpu.memory_space<vmem>>
      %dma_wait3A_205 = tpu.memref_squeeze %dma_wait3A_204 : memref<1x128xi32, #tpu.memory_space<vmem>> -> memref<128xi32, #tpu.memory_space<vmem>>
      %dma_wait3A_206 = arith.constant 0 : i32
      %dma_wait3A_207 = arith.constant 0 : i32
      %dma_wait3A_208 = tpu.memref_slice %arg2[%dma_wait3A_206, %dma_wait3A_207] : memref<10000x16xf32, #tpu.memory_space<hbm>> -> memref<10000x16xf32, #tpu.memory_space<hbm>>
      tpu.wait_indirect_dma semaphore(%arg7 : memref<!tpu.dma_semaphore, #tpu.memory_space<semaphore_mem>>) src(%dma_wait3A_208 : memref<10000x16xf32, #tpu.memory_space<hbm>>) dst(%dma_wait3A_202 : memref<128x16xf32, #tpu.memory_space<vmem>>)
      %dma_wait3A_209 = arith.constant 0 : i32
      %dma_wait3A_210 = tpu.memref_slice %arg6[%mul3A_77, %dma_wait3A_209] : memref<5120x16xf32, #tpu.memory_space<vmem>> -> memref<128x16xf32, #tpu.memory_space<vmem>>
      %dma_wait3A_211 = arith.constant 0 : i32
      %dma_wait3A_212 = tpu.memref_slice %arg5[%add3A_75, %dma_wait3A_211] : memref<40x128xi32, #tpu.memory_space<vmem>> -> memref<1x128xi32, #tpu.memory_space<vmem>>
      %dma_wait3A_213 = tpu.memref_squeeze %dma_wait3A_212 : memref<1x128xi32, #tpu.memory_space<vmem>> -> memref<128xi32, #tpu.memory_space<vmem>>
      %dma_wait3A_214 = arith.constant 0 : i32
      %dma_wait3A_215 = arith.constant 0 : i32
      %dma_wait3A_216 = tpu.memref_slice %arg2[%dma_wait3A_214, %dma_wait3A_215] : memref<10000x16xf32, #tpu.memory_space<hbm>> -> memref<10000x16xf32, #tpu.memory_space<hbm>>
      tpu.wait_indirect_dma semaphore(%arg7 : memref<!tpu.dma_semaphore, #tpu.memory_space<semaphore_mem>>) src(%dma_wait3A_216 : memref<10000x16xf32, #tpu.memory_space<hbm>>) dst(%dma_wait3A_210 : memref<128x16xf32, #tpu.memory_space<vmem>>)
      %dma_wait3A_217 = arith.constant 0 : i32
      %dma_wait3A_218 = tpu.memref_slice %arg6[%mul3A_89, %dma_wait3A_217] : memref<5120x16xf32, #tpu.memory_space<vmem>> -> memref<128x16xf32, #tpu.memory_space<vmem>>
      %dma_wait3A_219 = arith.constant 0 : i32
      %dma_wait3A_220 = tpu.memref_slice %arg5[%add3A_87, %dma_wait3A_219] : memref<40x128xi32, #tpu.memory_space<vmem>> -> memref<1x128xi32, #tpu.memory_space<vmem>>
      %dma_wait3A_221 = tpu.memref_squeeze %dma_wait3A_220 : memref<1x128xi32, #tpu.memory_space<vmem>> -> memref<128xi32, #tpu.memory_space<vmem>>
      %dma_wait3A_222 = arith.constant 0 : i32
      %dma_wait3A_223 = arith.constant 0 : i32
      %dma_wait3A_224 = tpu.memref_slice %arg2[%dma_wait3A_222, %dma_wait3A_223] : memref<10000x16xf32, #tpu.memory_space<hbm>> -> memref<10000x16xf32, #tpu.memory_space<hbm>>
      tpu.wait_indirect_dma semaphore(%arg7 : memref<!tpu.dma_semaphore, #tpu.memory_space<semaphore_mem>>) src(%dma_wait3A_224 : memref<10000x16xf32, #tpu.memory_space<hbm>>) dst(%dma_wait3A_218 : memref<128x16xf32, #tpu.memory_space<vmem>>)
      %dma_wait3A_225 = arith.constant 0 : i32
      %dma_wait3A_226 = tpu.memref_slice %arg6[%mul3A_101, %dma_wait3A_225] : memref<5120x16xf32, #tpu.memory_space<vmem>> -> memref<128x16xf32, #tpu.memory_space<vmem>>
      %dma_wait3A_227 = arith.constant 0 : i32
      %dma_wait3A_228 = tpu.memref_slice %arg5[%add3A_99, %dma_wait3A_227] : memref<40x128xi32, #tpu.memory_space<vmem>> -> memref<1x128xi32, #tpu.memory_space<vmem>>
      %dma_wait3A_229 = tpu.memref_squeeze %dma_wait3A_228 : memref<1x128xi32, #tpu.memory_space<vmem>> -> memref<128xi32, #tpu.memory_space<vmem>>
      %dma_wait3A_230 = arith.constant 0 : i32
      %dma_wait3A_231 = arith.constant 0 : i32
      %dma_wait3A_232 = tpu.memref_slice %arg2[%dma_wait3A_230, %dma_wait3A_231] : memref<10000x16xf32, #tpu.memory_space<hbm>> -> memref<10000x16xf32, #tpu.memory_space<hbm>>
      tpu.wait_indirect_dma semaphore(%arg7 : memref<!tpu.dma_semaphore, #tpu.memory_space<semaphore_mem>>) src(%dma_wait3A_232 : memref<10000x16xf32, #tpu.memory_space<hbm>>) dst(%dma_wait3A_226 : memref<128x16xf32, #tpu.memory_space<vmem>>)
      %dma_wait3A_233 = arith.constant 0 : i32
      %dma_wait3A_234 = tpu.memref_slice %arg6[%mul3A_113, %dma_wait3A_233] : memref<5120x16xf32, #tpu.memory_space<vmem>> -> memref<128x16xf32, #tpu.memory_space<vmem>>
      %dma_wait3A_235 = arith.constant 0 : i32
      %dma_wait3A_236 = tpu.memref_slice %arg5[%add3A_111, %dma_wait3A_235] : memref<40x128xi32, #tpu.memory_space<vmem>> -> memref<1x128xi32, #tpu.memory_space<vmem>>
      %dma_wait3A_237 = tpu.memref_squeeze %dma_wait3A_236 : memref<1x128xi32, #tpu.memory_space<vmem>> -> memref<128xi32, #tpu.memory_space<vmem>>
      %dma_wait3A_238 = arith.constant 0 : i32
      %dma_wait3A_239 = arith.constant 0 : i32
      %dma_wait3A_240 = tpu.memref_slice %arg2[%dma_wait3A_238, %dma_wait3A_239] : memref<10000x16xf32, #tpu.memory_space<hbm>> -> memref<10000x16xf32, #tpu.memory_space<hbm>>
      tpu.wait_indirect_dma semaphore(%arg7 : memref<!tpu.dma_semaphore, #tpu.memory_space<semaphore_mem>>) src(%dma_wait3A_240 : memref<10000x16xf32, #tpu.memory_space<hbm>>) dst(%dma_wait3A_234 : memref<128x16xf32, #tpu.memory_space<vmem>>)
      %dma_wait3A_241 = arith.constant 0 : i32
      %dma_wait3A_242 = tpu.memref_slice %arg6[%mul3A_125, %dma_wait3A_241] : memref<5120x16xf32, #tpu.memory_space<vmem>> -> memref<128x16xf32, #tpu.memory_space<vmem>>
      %dma_wait3A_243 = arith.constant 0 : i32
      %dma_wait3A_244 = tpu.memref_slice %arg5[%add3A_123, %dma_wait3A_243] : memref<40x128xi32, #tpu.memory_space<vmem>> -> memref<1x128xi32, #tpu.memory_space<vmem>>
      %dma_wait3A_245 = tpu.memref_squeeze %dma_wait3A_244 : memref<1x128xi32, #tpu.memory_space<vmem>> -> memref<128xi32, #tpu.memory_space<vmem>>
      %dma_wait3A_246 = arith.constant 0 : i32
      %dma_wait3A_247 = arith.constant 0 : i32
      %dma_wait3A_248 = tpu.memref_slice %arg2[%dma_wait3A_246, %dma_wait3A_247] : memref<10000x16xf32, #tpu.memory_space<hbm>> -> memref<10000x16xf32, #tpu.memory_space<hbm>>
      tpu.wait_indirect_dma semaphore(%arg7 : memref<!tpu.dma_semaphore, #tpu.memory_space<semaphore_mem>>) src(%dma_wait3A_248 : memref<10000x16xf32, #tpu.memory_space<hbm>>) dst(%dma_wait3A_242 : memref<128x16xf32, #tpu.memory_space<vmem>>)
      %dma_wait3A_249 = arith.constant 0 : i32
      %dma_wait3A_250 = tpu.memref_slice %arg6[%mul3A_137, %dma_wait3A_249] : memref<5120x16xf32, #tpu.memory_space<vmem>> -> memref<128x16xf32, #tpu.memory_space<vmem>>
      %dma_wait3A_251 = arith.constant 0 : i32
      %dma_wait3A_252 = tpu.memref_slice %arg5[%add3A_135, %dma_wait3A_251] : memref<40x128xi32, #tpu.memory_space<vmem>> -> memref<1x128xi32, #tpu.memory_space<vmem>>
      %dma_wait3A_253 = tpu.memref_squeeze %dma_wait3A_252 : memref<1x128xi32, #tpu.memory_space<vmem>> -> memref<128xi32, #tpu.memory_space<vmem>>
      %dma_wait3A_254 = arith.constant 0 : i32
      %dma_wait3A_255 = arith.constant 0 : i32
      %dma_wait3A_256 = tpu.memref_slice %arg2[%dma_wait3A_254, %dma_wait3A_255] : memref<10000x16xf32, #tpu.memory_space<hbm>> -> memref<10000x16xf32, #tpu.memory_space<hbm>>
      tpu.wait_indirect_dma semaphore(%arg7 : memref<!tpu.dma_semaphore, #tpu.memory_space<semaphore_mem>>) src(%dma_wait3A_256 : memref<10000x16xf32, #tpu.memory_space<hbm>>) dst(%dma_wait3A_250 : memref<128x16xf32, #tpu.memory_space<vmem>>)
      %dma_wait3A_257 = arith.constant 0 : i32
      %dma_wait3A_258 = tpu.memref_slice %arg6[%mul3A_149, %dma_wait3A_257] : memref<5120x16xf32, #tpu.memory_space<vmem>> -> memref<128x16xf32, #tpu.memory_space<vmem>>
      %dma_wait3A_259 = arith.constant 0 : i32
      %dma_wait3A_260 = tpu.memref_slice %arg5[%add3A_147, %dma_wait3A_259] : memref<40x128xi32, #tpu.memory_space<vmem>> -> memref<1x128xi32, #tpu.memory_space<vmem>>
      %dma_wait3A_261 = tpu.memref_squeeze %dma_wait3A_260 : memref<1x128xi32, #tpu.memory_space<vmem>> -> memref<128xi32, #tpu.memory_space<vmem>>
      %dma_wait3A_262 = arith.constant 0 : i32
      %dma_wait3A_263 = arith.constant 0 : i32
      %dma_wait3A_264 = tpu.memref_slice %arg2[%dma_wait3A_262, %dma_wait3A_263] : memref<10000x16xf32, #tpu.memory_space<hbm>> -> memref<10000x16xf32, #tpu.memory_space<hbm>>
      tpu.wait_indirect_dma semaphore(%arg7 : memref<!tpu.dma_semaphore, #tpu.memory_space<semaphore_mem>>) src(%dma_wait3A_264 : memref<10000x16xf32, #tpu.memory_space<hbm>>) dst(%dma_wait3A_258 : memref<128x16xf32, #tpu.memory_space<vmem>>)
      %dma_wait3A_265 = arith.constant 0 : i32
      %dma_wait3A_266 = tpu.memref_slice %arg6[%mul3A_161, %dma_wait3A_265] : memref<5120x16xf32, #tpu.memory_space<vmem>> -> memref<128x16xf32, #tpu.memory_space<vmem>>
      %dma_wait3A_267 = arith.constant 0 : i32
      %dma_wait3A_268 = tpu.memref_slice %arg5[%add3A_159, %dma_wait3A_267] : memref<40x128xi32, #tpu.memory_space<vmem>> -> memref<1x128xi32, #tpu.memory_space<vmem>>
      %dma_wait3A_269 = tpu.memref_squeeze %dma_wait3A_268 : memref<1x128xi32, #tpu.memory_space<vmem>> -> memref<128xi32, #tpu.memory_space<vmem>>
      %dma_wait3A_270 = arith.constant 0 : i32
      %dma_wait3A_271 = arith.constant 0 : i32
      %dma_wait3A_272 = tpu.memref_slice %arg2[%dma_wait3A_270, %dma_wait3A_271] : memref<10000x16xf32, #tpu.memory_space<hbm>> -> memref<10000x16xf32, #tpu.memory_space<hbm>>
      tpu.wait_indirect_dma semaphore(%arg7 : memref<!tpu.dma_semaphore, #tpu.memory_space<semaphore_mem>>) src(%dma_wait3A_272 : memref<10000x16xf32, #tpu.memory_space<hbm>>) dst(%dma_wait3A_266 : memref<128x16xf32, #tpu.memory_space<vmem>>)
    }
    %scan3A_7 = arith.constant 3 : i32
    %mul3A_8 = arith.constant 4992 : i32
    %mul3A_9 = arith.muli %add3A, %mul3A_8 : i32
    "tpu.region"() ({
      %run_scoped3A = tpu.sem_alloc : memref<!tpu.dma_semaphore, #tpu.memory_space<semaphore_mem>>
      %dma_start3A = arith.constant 0 : i32
      %dma_start3A_12 = arith.constant 0 : i32
      %dma_start3A_13 = tpu.memref_slice %arg6[%dma_start3A, %dma_start3A_12] : memref<5120x16xf32, #tpu.memory_space<vmem>> -> memref<4992x16xf32, #tpu.memory_space<vmem>>
      %dma_start3A_14 = arith.constant 0 : i32
      %dma_start3A_15 = tpu.memref_slice %arg4[%mul3A_9, %dma_start3A_14] : memref<160000x16xf32, #tpu.memory_space<hbm>> -> memref<4992x16xf32, #tpu.memory_space<hbm>>
      %dma_start3A_16 = arith.constant 0 : i32
      %dma_start3A_17 = tpu.memref_slice %arg4[%mul3A_9, %dma_start3A_16] : memref<160000x16xf32, #tpu.memory_space<hbm>> -> memref<4992x16xf32, #tpu.memory_space<hbm>>
      %dma_start3A_18 = arith.constant 0 : i32
      %dma_start3A_19 = arith.constant 0 : i32
      %dma_start3A_20 = tpu.memref_slice %arg6[%dma_start3A_18, %dma_start3A_19] : memref<5120x16xf32, #tpu.memory_space<vmem>> -> memref<4992x16xf32, #tpu.memory_space<vmem>>
      tpu.enqueue_dma source(%dma_start3A_20 : memref<4992x16xf32, #tpu.memory_space<vmem>>) target(%dma_start3A_17 : memref<4992x16xf32, #tpu.memory_space<hbm>>) target_semaphore(%run_scoped3A : memref<!tpu.dma_semaphore, #tpu.memory_space<semaphore_mem>>)
      %dma_wait3A = arith.constant 0 : i32
      %dma_wait3A_21 = arith.constant 0 : i32
      %dma_wait3A_22 = tpu.memref_slice %arg6[%dma_wait3A, %dma_wait3A_21] : memref<5120x16xf32, #tpu.memory_space<vmem>> -> memref<4992x16xf32, #tpu.memory_space<vmem>>
      %dma_wait3A_23 = arith.constant 0 : i32
      %dma_wait3A_24 = tpu.memref_slice %arg4[%mul3A_9, %dma_wait3A_23] : memref<160000x16xf32, #tpu.memory_space<hbm>> -> memref<4992x16xf32, #tpu.memory_space<hbm>>
      %dma_wait3A_25 = arith.constant 0 : i32
      %dma_wait3A_26 = tpu.memref_slice %arg4[%mul3A_9, %dma_wait3A_25] : memref<160000x16xf32, #tpu.memory_space<hbm>> -> memref<4992x16xf32, #tpu.memory_space<hbm>>
      %dma_wait3A_27 = arith.constant 0 : i32
      %dma_wait3A_28 = arith.constant 0 : i32
      %dma_wait3A_29 = tpu.memref_slice %arg6[%dma_wait3A_27, %dma_wait3A_28] : memref<5120x16xf32, #tpu.memory_space<vmem>> -> memref<4992x16xf32, #tpu.memory_space<vmem>>
      tpu.wait_dma2 semaphore(%run_scoped3A : memref<!tpu.dma_semaphore, #tpu.memory_space<semaphore_mem>>) src(%dma_wait3A_29 : memref<4992x16xf32, #tpu.memory_space<vmem>>) dst(%dma_wait3A_26 : memref<4992x16xf32, #tpu.memory_space<hbm>>)
      tpu.yield
    }) : () -> ()
    %lt3A = arith.constant 2 : i32
    %lt3A_10 = arith.cmpi slt, %add3A, %lt3A : i32
    %convert_element_type3A = arith.extui %lt3A_10 : i1 to i32
    %cond3A = arith.constant 0 : i32
    %cond3A_11 = arith.cmpi ne, %convert_element_type3A, %cond3A : i32
    scf.if %cond3A_11 {
      %add3A_12 = arith.constant 1248 : i32
      %add3A_13 = arith.addi %add3A_12, %add3A : i32
      "tpu.region"() ({
        %run_scoped3A = tpu.sem_alloc : memref<!tpu.dma_semaphore, #tpu.memory_space<semaphore_mem>>
        %dma_start3A_34 = arith.constant 39 : i32
        %dma_start3A_35 = arith.constant 0 : i32
        %dma_start3A_36 = tpu.memref_slice %arg5[%dma_start3A_34, %dma_start3A_35] : memref<40x128xi32, #tpu.memory_space<vmem>> -> memref<1x128xi32, #tpu.memory_space<vmem>>
        %dma_start3A_37 = arith.constant 0 : i32
        %dma_start3A_38 = tpu.memref_slice %arg3[%add3A_13, %dma_start3A_37] : memref<1250x128xi32, #tpu.memory_space<hbm>> -> memref<1x128xi32, #tpu.memory_space<hbm>>
        %dma_start3A_39 = arith.constant 39 : i32
        %dma_start3A_40 = arith.constant 0 : i32
        %dma_start3A_41 = tpu.memref_slice %arg5[%dma_start3A_39, %dma_start3A_40] : memref<40x128xi32, #tpu.memory_space<vmem>> -> memref<1x128xi32, #tpu.memory_space<vmem>>
        %dma_start3A_42 = arith.constant 0 : i32
        %dma_start3A_43 = tpu.memref_slice %arg3[%add3A_13, %dma_start3A_42] : memref<1250x128xi32, #tpu.memory_space<hbm>> -> memref<1x128xi32, #tpu.memory_space<hbm>>
        tpu.enqueue_dma source(%dma_start3A_43 : memref<1x128xi32, #tpu.memory_space<hbm>>) target(%dma_start3A_41 : memref<1x128xi32, #tpu.memory_space<vmem>>) target_semaphore(%run_scoped3A : memref<!tpu.dma_semaphore, #tpu.memory_space<semaphore_mem>>)
        %dma_wait3A_44 = arith.constant 39 : i32
        %dma_wait3A_45 = arith.constant 0 : i32
        %dma_wait3A_46 = tpu.memref_slice %arg5[%dma_wait3A_44, %dma_wait3A_45] : memref<40x128xi32, #tpu.memory_space<vmem>> -> memref<1x128xi32, #tpu.memory_space<vmem>>
        %dma_wait3A_47 = arith.constant 0 : i32
        %dma_wait3A_48 = tpu.memref_slice %arg3[%add3A_13, %dma_wait3A_47] : memref<1250x128xi32, #tpu.memory_space<hbm>> -> memref<1x128xi32, #tpu.memory_space<hbm>>
        %dma_wait3A_49 = arith.constant 39 : i32
        %dma_wait3A_50 = arith.constant 0 : i32
        %dma_wait3A_51 = tpu.memref_slice %arg5[%dma_wait3A_49, %dma_wait3A_50] : memref<40x128xi32, #tpu.memory_space<vmem>> -> memref<1x128xi32, #tpu.memory_space<vmem>>
        %dma_wait3A_52 = arith.constant 0 : i32
        %dma_wait3A_53 = tpu.memref_slice %arg3[%add3A_13, %dma_wait3A_52] : memref<1250x128xi32, #tpu.memory_space<hbm>> -> memref<1x128xi32, #tpu.memory_space<hbm>>
        tpu.wait_dma2 semaphore(%run_scoped3A : memref<!tpu.dma_semaphore, #tpu.memory_space<semaphore_mem>>) src(%dma_wait3A_53 : memref<1x128xi32, #tpu.memory_space<hbm>>) dst(%dma_wait3A_51 : memref<1x128xi32, #tpu.memory_space<vmem>>)
        tpu.yield
      }) : () -> ()
      %dma_start3A = arith.constant 39 : i32
      %dma_start3A_14 = arith.constant 4992 : i32
      %dma_start3A_15 = arith.constant 0 : i32
      %dma_start3A_16 = tpu.memref_slice %arg6[%dma_start3A_14, %dma_start3A_15] : memref<5120x16xf32, #tpu.memory_space<vmem>> -> memref<128x16xf32, #tpu.memory_space<vmem>>
      %dma_start3A_17 = arith.constant 0 : i32
      %dma_start3A_18 = tpu.memref_slice %arg5[%dma_start3A, %dma_start3A_17] : memref<40x128xi32, #tpu.memory_space<vmem>> -> memref<1x128xi32, #tpu.memory_space<vmem>>
      %dma_start3A_19 = tpu.memref_squeeze %dma_start3A_18 : memref<1x128xi32, #tpu.memory_space<vmem>> -> memref<128xi32, #tpu.memory_space<vmem>>
      %dma_start3A_20 = arith.constant 0 : i32
      %dma_start3A_21 = arith.constant 0 : i32
      %dma_start3A_22 = tpu.memref_slice %arg2[%dma_start3A_20, %dma_start3A_21] : memref<10000x16xf32, #tpu.memory_space<hbm>> -> memref<10000x16xf32, #tpu.memory_space<hbm>>
      tpu.enqueue_indirect_dma source(%dma_start3A_22 : memref<10000x16xf32, #tpu.memory_space<hbm>>) target(%dma_start3A_16 : memref<128x16xf32, #tpu.memory_space<vmem>>) offsets(%dma_start3A_19 : memref<128xi32, #tpu.memory_space<vmem>>) semaphore(%arg7 : memref<!tpu.dma_semaphore, #tpu.memory_space<semaphore_mem>>)
      %dma_wait3A = arith.constant 39 : i32
      %dma_wait3A_23 = arith.constant 4992 : i32
      %dma_wait3A_24 = arith.constant 0 : i32
      %dma_wait3A_25 = tpu.memref_slice %arg6[%dma_wait3A_23, %dma_wait3A_24] : memref<5120x16xf32, #tpu.memory_space<vmem>> -> memref<128x16xf32, #tpu.memory_space<vmem>>
      %dma_wait3A_26 = arith.constant 0 : i32
      %dma_wait3A_27 = tpu.memref_slice %arg5[%dma_wait3A, %dma_wait3A_26] : memref<40x128xi32, #tpu.memory_space<vmem>> -> memref<1x128xi32, #tpu.memory_space<vmem>>
      %dma_wait3A_28 = tpu.memref_squeeze %dma_wait3A_27 : memref<1x128xi32, #tpu.memory_space<vmem>> -> memref<128xi32, #tpu.memory_space<vmem>>
      %dma_wait3A_29 = arith.constant 0 : i32
      %dma_wait3A_30 = arith.constant 0 : i32
      %dma_wait3A_31 = tpu.memref_slice %arg2[%dma_wait3A_29, %dma_wait3A_30] : memref<10000x16xf32, #tpu.memory_space<hbm>> -> memref<10000x16xf32, #tpu.memory_space<hbm>>
      tpu.wait_indirect_dma semaphore(%arg7 : memref<!tpu.dma_semaphore, #tpu.memory_space<semaphore_mem>>) src(%dma_wait3A_31 : memref<10000x16xf32, #tpu.memory_space<hbm>>) dst(%dma_wait3A_25 : memref<128x16xf32, #tpu.memory_space<vmem>>)
      %mul3A_32 = arith.constant 128 : i32
      %mul3A_33 = arith.muli %add3A_13, %mul3A_32 : i32
      "tpu.region"() ({
        %run_scoped3A = tpu.sem_alloc : memref<!tpu.dma_semaphore, #tpu.memory_space<semaphore_mem>>
        %dma_start3A_34 = arith.constant 4992 : i32
        %dma_start3A_35 = arith.constant 0 : i32
        %dma_start3A_36 = tpu.memref_slice %arg6[%dma_start3A_34, %dma_start3A_35] : memref<5120x16xf32, #tpu.memory_space<vmem>> -> memref<128x16xf32, #tpu.memory_space<vmem>>
        %dma_start3A_37 = arith.constant 0 : i32
        %dma_start3A_38 = tpu.memref_slice %arg4[%mul3A_33, %dma_start3A_37] : memref<160000x16xf32, #tpu.memory_space<hbm>> -> memref<128x16xf32, #tpu.memory_space<hbm>>
        %dma_start3A_39 = arith.constant 0 : i32
        %dma_start3A_40 = tpu.memref_slice %arg4[%mul3A_33, %dma_start3A_39] : memref<160000x16xf32, #tpu.memory_space<hbm>> -> memref<128x16xf32, #tpu.memory_space<hbm>>
        %dma_start3A_41 = arith.constant 4992 : i32
        %dma_start3A_42 = arith.constant 0 : i32
        %dma_start3A_43 = tpu.memref_slice %arg6[%dma_start3A_41, %dma_start3A_42] : memref<5120x16xf32, #tpu.memory_space<vmem>> -> memref<128x16xf32, #tpu.memory_space<vmem>>
        tpu.enqueue_dma source(%dma_start3A_43 : memref<128x16xf32, #tpu.memory_space<vmem>>) target(%dma_start3A_40 : memref<128x16xf32, #tpu.memory_space<hbm>>) target_semaphore(%run_scoped3A : memref<!tpu.dma_semaphore, #tpu.memory_space<semaphore_mem>>)
        %dma_wait3A_44 = arith.constant 4992 : i32
        %dma_wait3A_45 = arith.constant 0 : i32
        %dma_wait3A_46 = tpu.memref_slice %arg6[%dma_wait3A_44, %dma_wait3A_45] : memref<5120x16xf32, #tpu.memory_space<vmem>> -> memref<128x16xf32, #tpu.memory_space<vmem>>
        %dma_wait3A_47 = arith.constant 0 : i32
        %dma_wait3A_48 = tpu.memref_slice %arg4[%mul3A_33, %dma_wait3A_47] : memref<160000x16xf32, #tpu.memory_space<hbm>> -> memref<128x16xf32, #tpu.memory_space<hbm>>
        %dma_wait3A_49 = arith.constant 0 : i32
        %dma_wait3A_50 = tpu.memref_slice %arg4[%mul3A_33, %dma_wait3A_49] : memref<160000x16xf32, #tpu.memory_space<hbm>> -> memref<128x16xf32, #tpu.memory_space<hbm>>
        %dma_wait3A_51 = arith.constant 4992 : i32
        %dma_wait3A_52 = arith.constant 0 : i32
        %dma_wait3A_53 = tpu.memref_slice %arg6[%dma_wait3A_51, %dma_wait3A_52] : memref<5120x16xf32, #tpu.memory_space<vmem>> -> memref<128x16xf32, #tpu.memory_space<vmem>>
        tpu.wait_dma2 semaphore(%run_scoped3A : memref<!tpu.dma_semaphore, #tpu.memory_space<semaphore_mem>>) src(%dma_wait3A_53 : memref<128x16xf32, #tpu.memory_space<vmem>>) dst(%dma_wait3A_50 : memref<128x16xf32, #tpu.memory_space<hbm>>)
        tpu.yield
      }) : () -> ()
    } else {
    }
    return
  }
}

#map = affine_map<(d0, d1) -> (0, 0)>
#map1 = affine_map<(d0, d1) -> (0, 0, 0)>
module attributes {stable_mosaic.version = 14 : i64} {
  func.func @scatter_k(%arg0: i32, %arg1: i32, %arg2: memref<160000x64xf32, #tpu.memory_space<hbm>>, %arg3: memref<1250x128xi32, #tpu.memory_space<hbm>>, %arg4: memref<2x10000x32xf32, #tpu.memory_space<hbm>>, %arg5: memref<6x128xi32, #tpu.memory_space<vmem>>, %arg6: memref<768x32xf32, #tpu.memory_space<vmem>>, %arg7: memref<625x32xf32, #tpu.memory_space<vmem>>, %arg8: memref<10000x32xf32, #tpu.memory_space<vmem_shared>>) attributes {dimension_semantics = [#tpu.dimension_semantics<core_parallel>, #tpu.dimension_semantics<subcore_parallel>], iteration_bounds = array<i64: 2, 16>, scalar_prefetch = 0 : i64, scratch_operands = 4 : i64, tpu.core_type = #tpu.core_type<sc_vector_subcore>, window_params = [{transform_indices = #map}, {transform_indices = #map}, {transform_indices = #map1}]} {
    %broadcast_in_dim3A = arith.constant 0.000000e+00 : f32
    %broadcast_in_dim3A_0 = vector.broadcast %broadcast_in_dim3A : f32 to vector<16xf32>
    %scan3A = arith.constant 0 : i32
    %scan3A_1 = arith.constant 0 : i32
    %scan3A_2 = arith.constant 625 : i32
    %scan3A_3 = arith.addi %scan3A_1, %scan3A_2 : i32
    %scan3A_4 = arith.constant 1 : i32
    scf.for %scan3A_20 = %scan3A_1 to %scan3A_3 step %scan3A_4  : i32 {
      %swap3A = arith.index_cast %scan3A_20 : i32 to index
      %swap3A_21 = arith.constant 0 : index
      %swap3A_22 = tpu.vector_load %arg7[%swap3A, %swap3A_21] {strides = array<i32>} : memref<625x32xf32, #tpu.memory_space<vmem>>, vector<1x16xf32>,
      %swap3A_23 = vector.shape_cast %swap3A_22 : vector<1x16xf32> to vector<16xf32>
      %swap3A_24 = vector.shape_cast %broadcast_in_dim3A_0 : vector<16xf32> to vector<1x16xf32>
      tpu.vector_store %arg7[%swap3A, %swap3A_21], %swap3A_24 {strides = array<i32>} : memref<625x32xf32, #tpu.memory_space<vmem>>, vector<1x16xf32>,
      %swap3A_25 = arith.index_cast %scan3A_20 : i32 to index
      %swap3A_26 = arith.constant 16 : index
      %swap3A_27 = tpu.vector_load %arg7[%swap3A_25, %swap3A_26] {strides = array<i32>} : memref<625x32xf32, #tpu.memory_space<vmem>>, vector<1x16xf32>,
      %swap3A_28 = vector.shape_cast %swap3A_27 : vector<1x16xf32> to vector<16xf32>
      %swap3A_29 = vector.shape_cast %broadcast_in_dim3A_0 : vector<16xf32> to vector<1x16xf32>
      tpu.vector_store %arg7[%swap3A_25, %swap3A_26], %swap3A_29 {strides = array<i32>} : memref<625x32xf32, #tpu.memory_space<vmem>>, vector<1x16xf32>,
    }
    %scan3A_5 = arith.constant 625 : i32
    %mul3A = arith.constant 625 : i32
    %mul3A_6 = arith.muli %arg1, %mul3A : i32
    "tpu.region"() ({
      %run_scoped3A = tpu.sem_alloc : memref<!tpu.dma_semaphore, #tpu.memory_space<semaphore_mem>>
      %dma_start3A = arith.constant 0 : i32
      %dma_start3A_20 = tpu.memref_slice %arg8[%mul3A_6, %dma_start3A] : memref<10000x32xf32, #tpu.memory_space<vmem_shared>> -> memref<625x32xf32, #tpu.memory_space<vmem_shared>>
      %dma_start3A_21 = arith.constant 0 : i32
      %dma_start3A_22 = tpu.memref_slice %arg8[%mul3A_6, %dma_start3A_21] : memref<10000x32xf32, #tpu.memory_space<vmem_shared>> -> memref<625x32xf32, #tpu.memory_space<vmem_shared>>
      tpu.enqueue_dma source(%arg7 : memref<625x32xf32, #tpu.memory_space<vmem>>) target(%dma_start3A_22 : memref<625x32xf32, #tpu.memory_space<vmem_shared>>) target_semaphore(%run_scoped3A : memref<!tpu.dma_semaphore, #tpu.memory_space<semaphore_mem>>)
      %dma_wait3A = arith.constant 0 : i32
      %dma_wait3A_23 = tpu.memref_slice %arg8[%mul3A_6, %dma_wait3A] : memref<10000x32xf32, #tpu.memory_space<vmem_shared>> -> memref<625x32xf32, #tpu.memory_space<vmem_shared>>
      %dma_wait3A_24 = arith.constant 0 : i32
      %dma_wait3A_25 = tpu.memref_slice %arg8[%mul3A_6, %dma_wait3A_24] : memref<10000x32xf32, #tpu.memory_space<vmem_shared>> -> memref<625x32xf32, #tpu.memory_space<vmem_shared>>
      tpu.wait_dma2 semaphore(%run_scoped3A : memref<!tpu.dma_semaphore, #tpu.memory_space<semaphore_mem>>) src(%arg7 : memref<625x32xf32, #tpu.memory_space<vmem>>) dst(%dma_wait3A_25 : memref<625x32xf32, #tpu.memory_space<vmem_shared>>)
      tpu.yield
    }) : () -> ()
    %barrier3A = arith.constant 0 : index
    tpu.barrier barrier_id(%barrier3A)
    %scan3A_7 = arith.constant 0 : i32
    %scan3A_8 = arith.constant 0 : i32
    %scan3A_9 = arith.constant 13 : i32
    %scan3A_10 = arith.addi %scan3A_8, %scan3A_9 : i32
    %scan3A_11 = arith.constant 1 : i32
    scf.for %scan3A_20 = %scan3A_8 to %scan3A_10 step %scan3A_11  : i32 {
      %mul3A_21 = arith.constant 78 : i32
      %mul3A_22 = arith.muli %arg1, %mul3A_21 : i32
      %mul3A_23 = arith.constant 6 : i32
      %mul3A_24 = arith.muli %scan3A_20, %mul3A_23 : i32
      %add3A = arith.addi %mul3A_22, %mul3A_24 : i32
      "tpu.region"() ({
        %run_scoped3A_34 = tpu.sem_alloc : memref<!tpu.dma_semaphore, #tpu.memory_space<semaphore_mem>>
        %dma_start3A = arith.constant 0 : i32
        %dma_start3A_35 = tpu.memref_slice %arg3[%add3A, %dma_start3A] : memref<1250x128xi32, #tpu.memory_space<hbm>> -> memref<6x128xi32, #tpu.memory_space<hbm>>
        %dma_start3A_36 = arith.constant 0 : i32
        %dma_start3A_37 = tpu.memref_slice %arg3[%add3A, %dma_start3A_36] : memref<1250x128xi32, #tpu.memory_space<hbm>> -> memref<6x128xi32, #tpu.memory_space<hbm>>
        tpu.enqueue_dma source(%dma_start3A_37 : memref<6x128xi32, #tpu.memory_space<hbm>>) target(%arg5 : memref<6x128xi32, #tpu.memory_space<vmem>>) target_semaphore(%run_scoped3A_34 : memref<!tpu.dma_semaphore, #tpu.memory_space<semaphore_mem>>)
        %dma_wait3A = arith.constant 0 : i32
        %dma_wait3A_38 = tpu.memref_slice %arg3[%add3A, %dma_wait3A] : memref<1250x128xi32, #tpu.memory_space<hbm>> -> memref<6x128xi32, #tpu.memory_space<hbm>>
        %dma_wait3A_39 = arith.constant 0 : i32
        %dma_wait3A_40 = tpu.memref_slice %arg3[%add3A, %dma_wait3A_39] : memref<1250x128xi32, #tpu.memory_space<hbm>> -> memref<6x128xi32, #tpu.memory_space<hbm>>
        tpu.wait_dma2 semaphore(%run_scoped3A_34 : memref<!tpu.dma_semaphore, #tpu.memory_space<semaphore_mem>>) src(%dma_wait3A_40 : memref<6x128xi32, #tpu.memory_space<hbm>>) dst(%arg5 : memref<6x128xi32, #tpu.memory_space<vmem>>)
        tpu.yield
      }) : () -> ()
      %mul3A_25 = arith.constant 128 : i32
      %mul3A_26 = arith.muli %add3A, %mul3A_25 : i32
      %mul3A_27 = arith.constant 32 : i32
      %mul3A_28 = arith.muli %arg0, %mul3A_27 : i32
      "tpu.region"() ({
        %run_scoped3A_34 = tpu.sem_alloc : memref<!tpu.dma_semaphore, #tpu.memory_space<semaphore_mem>>
        %dma_start3A = tpu.memref_slice %arg2[%mul3A_26, %mul3A_28] : memref<160000x64xf32, #tpu.memory_space<hbm>> -> memref<768x32xf32, #tpu.memory_space<hbm>>
        %dma_start3A_35 = tpu.memref_slice %arg2[%mul3A_26, %mul3A_28] : memref<160000x64xf32, #tpu.memory_space<hbm>> -> memref<768x32xf32, #tpu.memory_space<hbm>>
        tpu.enqueue_dma source(%dma_start3A_35 : memref<768x32xf32, #tpu.memory_space<hbm>>) target(%arg6 : memref<768x32xf32, #tpu.memory_space<vmem>>) target_semaphore(%run_scoped3A_34 : memref<!tpu.dma_semaphore, #tpu.memory_space<semaphore_mem>>)
        %dma_wait3A = tpu.memref_slice %arg2[%mul3A_26, %mul3A_28] : memref<160000x64xf32, #tpu.memory_space<hbm>> -> memref<768x32xf32, #tpu.memory_space<hbm>>
        %dma_wait3A_36 = tpu.memref_slice %arg2[%mul3A_26, %mul3A_28] : memref<160000x64xf32, #tpu.memory_space<hbm>> -> memref<768x32xf32, #tpu.memory_space<hbm>>
        tpu.wait_dma2 semaphore(%run_scoped3A_34 : memref<!tpu.dma_semaphore, #tpu.memory_space<semaphore_mem>>) src(%dma_wait3A_36 : memref<768x32xf32, #tpu.memory_space<hbm>>) dst(%arg6 : memref<768x32xf32, #tpu.memory_space<vmem>>)
        tpu.yield
      }) : () -> ()
      %run_scoped3A = arith.constant 0 : i32
      "tpu.region"() ({
        %run_scoped3A_34 = tpu.sem_alloc : memref<!tpu.dma_semaphore, #tpu.memory_space<semaphore_mem>>
        %dma_start3A = arith.constant 0 : i32
        %dma_start3A_35 = arith.constant 0 : i32
        %dma_start3A_36 = tpu.memref_slice %arg6[%dma_start3A, %dma_start3A_35] : memref<768x32xf32, #tpu.memory_space<vmem>> -> memref<128x32xf32, #tpu.memory_space<vmem>>
        %dma_start3A_37 = arith.constant 0 : i32
        %dma_start3A_38 = tpu.memref_slice %arg5[%run_scoped3A, %dma_start3A_37] : memref<6x128xi32, #tpu.memory_space<vmem>> -> memref<1x128xi32, #tpu.memory_space<vmem>>
        %dma_start3A_39 = tpu.memref_squeeze %dma_start3A_38 : memref<1x128xi32, #tpu.memory_space<vmem>> -> memref<128xi32, #tpu.memory_space<vmem>>
        %dma_start3A_40 = arith.constant 0 : i32
        %dma_start3A_41 = arith.constant 0 : i32
        %dma_start3A_42 = tpu.memref_slice %arg8[%dma_start3A_40, %dma_start3A_41] : memref<10000x32xf32, #tpu.memory_space<vmem_shared>> -> memref<10000x32xf32, #tpu.memory_space<vmem_shared>>
        tpu.enqueue_indirect_dma source(%dma_start3A_36 : memref<128x32xf32, #tpu.memory_space<vmem>>) target(%dma_start3A_42 : memref<10000x32xf32, #tpu.memory_space<vmem_shared>>) offsets(%dma_start3A_39 : memref<128xi32, #tpu.memory_space<vmem>>) semaphore(%run_scoped3A_34 : memref<!tpu.dma_semaphore, #tpu.memory_space<semaphore_mem>>) {add = true}
        %dma_wait3A = arith.constant 0 : i32
        %dma_wait3A_43 = arith.constant 0 : i32
        %dma_wait3A_44 = tpu.memref_slice %arg6[%dma_wait3A, %dma_wait3A_43] : memref<768x32xf32, #tpu.memory_space<vmem>> -> memref<128x32xf32, #tpu.memory_space<vmem>>
        %dma_wait3A_45 = arith.constant 0 : i32
        %dma_wait3A_46 = tpu.memref_slice %arg5[%run_scoped3A, %dma_wait3A_45] : memref<6x128xi32, #tpu.memory_space<vmem>> -> memref<1x128xi32, #tpu.memory_space<vmem>>
        %dma_wait3A_47 = tpu.memref_squeeze %dma_wait3A_46 : memref<1x128xi32, #tpu.memory_space<vmem>> -> memref<128xi32, #tpu.memory_space<vmem>>
        %dma_wait3A_48 = arith.constant 0 : i32
        %dma_wait3A_49 = arith.constant 0 : i32
        %dma_wait3A_50 = tpu.memref_slice %arg8[%dma_wait3A_48, %dma_wait3A_49] : memref<10000x32xf32, #tpu.memory_space<vmem_shared>> -> memref<10000x32xf32, #tpu.memory_space<vmem_shared>>
        tpu.wait_indirect_dma semaphore(%run_scoped3A_34 : memref<!tpu.dma_semaphore, #tpu.memory_space<semaphore_mem>>) src(%dma_wait3A_44 : memref<128x32xf32, #tpu.memory_space<vmem>>) dst(%dma_wait3A_50 : memref<10000x32xf32, #tpu.memory_space<vmem_shared>>)
        tpu.yield
      }) : () -> ()
      %run_scoped3A_29 = arith.constant 1 : i32
      "tpu.region"() ({
        %run_scoped3A_34 = tpu.sem_alloc : memref<!tpu.dma_semaphore, #tpu.memory_space<semaphore_mem>>
        %dma_start3A = arith.constant 128 : i32
        %dma_start3A_35 = arith.constant 0 : i32
        %dma_start3A_36 = tpu.memref_slice %arg6[%dma_start3A, %dma_start3A_35] : memref<768x32xf32, #tpu.memory_space<vmem>> -> memref<128x32xf32, #tpu.memory_space<vmem>>
        %dma_start3A_37 = arith.constant 0 : i32
        %dma_start3A_38 = tpu.memref_slice %arg5[%run_scoped3A_29, %dma_start3A_37] : memref<6x128xi32, #tpu.memory_space<vmem>> -> memref<1x128xi32, #tpu.memory_space<vmem>>
        %dma_start3A_39 = tpu.memref_squeeze %dma_start3A_38 : memref<1x128xi32, #tpu.memory_space<vmem>> -> memref<128xi32, #tpu.memory_space<vmem>>
        %dma_start3A_40 = arith.constant 0 : i32
        %dma_start3A_41 = arith.constant 0 : i32
        %dma_start3A_42 = tpu.memref_slice %arg8[%dma_start3A_40, %dma_start3A_41] : memref<10000x32xf32, #tpu.memory_space<vmem_shared>> -> memref<10000x32xf32, #tpu.memory_space<vmem_shared>>
        tpu.enqueue_indirect_dma source(%dma_start3A_36 : memref<128x32xf32, #tpu.memory_space<vmem>>) target(%dma_start3A_42 : memref<10000x32xf32, #tpu.memory_space<vmem_shared>>) offsets(%dma_start3A_39 : memref<128xi32, #tpu.memory_space<vmem>>) semaphore(%run_scoped3A_34 : memref<!tpu.dma_semaphore, #tpu.memory_space<semaphore_mem>>) {add = true}
        %dma_wait3A = arith.constant 128 : i32
        %dma_wait3A_43 = arith.constant 0 : i32
        %dma_wait3A_44 = tpu.memref_slice %arg6[%dma_wait3A, %dma_wait3A_43] : memref<768x32xf32, #tpu.memory_space<vmem>> -> memref<128x32xf32, #tpu.memory_space<vmem>>
        %dma_wait3A_45 = arith.constant 0 : i32
        %dma_wait3A_46 = tpu.memref_slice %arg5[%run_scoped3A_29, %dma_wait3A_45] : memref<6x128xi32, #tpu.memory_space<vmem>> -> memref<1x128xi32, #tpu.memory_space<vmem>>
        %dma_wait3A_47 = tpu.memref_squeeze %dma_wait3A_46 : memref<1x128xi32, #tpu.memory_space<vmem>> -> memref<128xi32, #tpu.memory_space<vmem>>
        %dma_wait3A_48 = arith.constant 0 : i32
        %dma_wait3A_49 = arith.constant 0 : i32
        %dma_wait3A_50 = tpu.memref_slice %arg8[%dma_wait3A_48, %dma_wait3A_49] : memref<10000x32xf32, #tpu.memory_space<vmem_shared>> -> memref<10000x32xf32, #tpu.memory_space<vmem_shared>>
        tpu.wait_indirect_dma semaphore(%run_scoped3A_34 : memref<!tpu.dma_semaphore, #tpu.memory_space<semaphore_mem>>) src(%dma_wait3A_44 : memref<128x32xf32, #tpu.memory_space<vmem>>) dst(%dma_wait3A_50 : memref<10000x32xf32, #tpu.memory_space<vmem_shared>>)
        tpu.yield
      }) : () -> ()
      %run_scoped3A_30 = arith.constant 2 : i32
      "tpu.region"() ({
        %run_scoped3A_34 = tpu.sem_alloc : memref<!tpu.dma_semaphore, #tpu.memory_space<semaphore_mem>>
        %dma_start3A = arith.constant 256 : i32
        %dma_start3A_35 = arith.constant 0 : i32
        %dma_start3A_36 = tpu.memref_slice %arg6[%dma_start3A, %dma_start3A_35] : memref<768x32xf32, #tpu.memory_space<vmem>> -> memref<128x32xf32, #tpu.memory_space<vmem>>
        %dma_start3A_37 = arith.constant 0 : i32
        %dma_start3A_38 = tpu.memref_slice %arg5[%run_scoped3A_30, %dma_start3A_37] : memref<6x128xi32, #tpu.memory_space<vmem>> -> memref<1x128xi32, #tpu.memory_space<vmem>>
        %dma_start3A_39 = tpu.memref_squeeze %dma_start3A_38 : memref<1x128xi32, #tpu.memory_space<vmem>> -> memref<128xi32, #tpu.memory_space<vmem>>
        %dma_start3A_40 = arith.constant 0 : i32
        %dma_start3A_41 = arith.constant 0 : i32
        %dma_start3A_42 = tpu.memref_slice %arg8[%dma_start3A_40, %dma_start3A_41] : memref<10000x32xf32, #tpu.memory_space<vmem_shared>> -> memref<10000x32xf32, #tpu.memory_space<vmem_shared>>
        tpu.enqueue_indirect_dma source(%dma_start3A_36 : memref<128x32xf32, #tpu.memory_space<vmem>>) target(%dma_start3A_42 : memref<10000x32xf32, #tpu.memory_space<vmem_shared>>) offsets(%dma_start3A_39 : memref<128xi32, #tpu.memory_space<vmem>>) semaphore(%run_scoped3A_34 : memref<!tpu.dma_semaphore, #tpu.memory_space<semaphore_mem>>) {add = true}
        %dma_wait3A = arith.constant 256 : i32
        %dma_wait3A_43 = arith.constant 0 : i32
        %dma_wait3A_44 = tpu.memref_slice %arg6[%dma_wait3A, %dma_wait3A_43] : memref<768x32xf32, #tpu.memory_space<vmem>> -> memref<128x32xf32, #tpu.memory_space<vmem>>
        %dma_wait3A_45 = arith.constant 0 : i32
        %dma_wait3A_46 = tpu.memref_slice %arg5[%run_scoped3A_30, %dma_wait3A_45] : memref<6x128xi32, #tpu.memory_space<vmem>> -> memref<1x128xi32, #tpu.memory_space<vmem>>
        %dma_wait3A_47 = tpu.memref_squeeze %dma_wait3A_46 : memref<1x128xi32, #tpu.memory_space<vmem>> -> memref<128xi32, #tpu.memory_space<vmem>>
        %dma_wait3A_48 = arith.constant 0 : i32
        %dma_wait3A_49 = arith.constant 0 : i32
        %dma_wait3A_50 = tpu.memref_slice %arg8[%dma_wait3A_48, %dma_wait3A_49] : memref<10000x32xf32, #tpu.memory_space<vmem_shared>> -> memref<10000x32xf32, #tpu.memory_space<vmem_shared>>
        tpu.wait_indirect_dma semaphore(%run_scoped3A_34 : memref<!tpu.dma_semaphore, #tpu.memory_space<semaphore_mem>>) src(%dma_wait3A_44 : memref<128x32xf32, #tpu.memory_space<vmem>>) dst(%dma_wait3A_50 : memref<10000x32xf32, #tpu.memory_space<vmem_shared>>)
        tpu.yield
      }) : () -> ()
      %run_scoped3A_31 = arith.constant 3 : i32
      "tpu.region"() ({
        %run_scoped3A_34 = tpu.sem_alloc : memref<!tpu.dma_semaphore, #tpu.memory_space<semaphore_mem>>
        %dma_start3A = arith.constant 384 : i32
        %dma_start3A_35 = arith.constant 0 : i32
        %dma_start3A_36 = tpu.memref_slice %arg6[%dma_start3A, %dma_start3A_35] : memref<768x32xf32, #tpu.memory_space<vmem>> -> memref<128x32xf32, #tpu.memory_space<vmem>>
        %dma_start3A_37 = arith.constant 0 : i32
        %dma_start3A_38 = tpu.memref_slice %arg5[%run_scoped3A_31, %dma_start3A_37] : memref<6x128xi32, #tpu.memory_space<vmem>> -> memref<1x128xi32, #tpu.memory_space<vmem>>
        %dma_start3A_39 = tpu.memref_squeeze %dma_start3A_38 : memref<1x128xi32, #tpu.memory_space<vmem>> -> memref<128xi32, #tpu.memory_space<vmem>>
        %dma_start3A_40 = arith.constant 0 : i32
        %dma_start3A_41 = arith.constant 0 : i32
        %dma_start3A_42 = tpu.memref_slice %arg8[%dma_start3A_40, %dma_start3A_41] : memref<10000x32xf32, #tpu.memory_space<vmem_shared>> -> memref<10000x32xf32, #tpu.memory_space<vmem_shared>>
        tpu.enqueue_indirect_dma source(%dma_start3A_36 : memref<128x32xf32, #tpu.memory_space<vmem>>) target(%dma_start3A_42 : memref<10000x32xf32, #tpu.memory_space<vmem_shared>>) offsets(%dma_start3A_39 : memref<128xi32, #tpu.memory_space<vmem>>) semaphore(%run_scoped3A_34 : memref<!tpu.dma_semaphore, #tpu.memory_space<semaphore_mem>>) {add = true}
        %dma_wait3A = arith.constant 384 : i32
        %dma_wait3A_43 = arith.constant 0 : i32
        %dma_wait3A_44 = tpu.memref_slice %arg6[%dma_wait3A, %dma_wait3A_43] : memref<768x32xf32, #tpu.memory_space<vmem>> -> memref<128x32xf32, #tpu.memory_space<vmem>>
        %dma_wait3A_45 = arith.constant 0 : i32
        %dma_wait3A_46 = tpu.memref_slice %arg5[%run_scoped3A_31, %dma_wait3A_45] : memref<6x128xi32, #tpu.memory_space<vmem>> -> memref<1x128xi32, #tpu.memory_space<vmem>>
        %dma_wait3A_47 = tpu.memref_squeeze %dma_wait3A_46 : memref<1x128xi32, #tpu.memory_space<vmem>> -> memref<128xi32, #tpu.memory_space<vmem>>
        %dma_wait3A_48 = arith.constant 0 : i32
        %dma_wait3A_49 = arith.constant 0 : i32
        %dma_wait3A_50 = tpu.memref_slice %arg8[%dma_wait3A_48, %dma_wait3A_49] : memref<10000x32xf32, #tpu.memory_space<vmem_shared>> -> memref<10000x32xf32, #tpu.memory_space<vmem_shared>>
        tpu.wait_indirect_dma semaphore(%run_scoped3A_34 : memref<!tpu.dma_semaphore, #tpu.memory_space<semaphore_mem>>) src(%dma_wait3A_44 : memref<128x32xf32, #tpu.memory_space<vmem>>) dst(%dma_wait3A_50 : memref<10000x32xf32, #tpu.memory_space<vmem_shared>>)
        tpu.yield
      }) : () -> ()
      %run_scoped3A_32 = arith.constant 4 : i32
      "tpu.region"() ({
        %run_scoped3A_34 = tpu.sem_alloc : memref<!tpu.dma_semaphore, #tpu.memory_space<semaphore_mem>>
        %dma_start3A = arith.constant 512 : i32
        %dma_start3A_35 = arith.constant 0 : i32
        %dma_start3A_36 = tpu.memref_slice %arg6[%dma_start3A, %dma_start3A_35] : memref<768x32xf32, #tpu.memory_space<vmem>> -> memref<128x32xf32, #tpu.memory_space<vmem>>
        %dma_start3A_37 = arith.constant 0 : i32
        %dma_start3A_38 = tpu.memref_slice %arg5[%run_scoped3A_32, %dma_start3A_37] : memref<6x128xi32, #tpu.memory_space<vmem>> -> memref<1x128xi32, #tpu.memory_space<vmem>>
        %dma_start3A_39 = tpu.memref_squeeze %dma_start3A_38 : memref<1x128xi32, #tpu.memory_space<vmem>> -> memref<128xi32, #tpu.memory_space<vmem>>
        %dma_start3A_40 = arith.constant 0 : i32
        %dma_start3A_41 = arith.constant 0 : i32
        %dma_start3A_42 = tpu.memref_slice %arg8[%dma_start3A_40, %dma_start3A_41] : memref<10000x32xf32, #tpu.memory_space<vmem_shared>> -> memref<10000x32xf32, #tpu.memory_space<vmem_shared>>
        tpu.enqueue_indirect_dma source(%dma_start3A_36 : memref<128x32xf32, #tpu.memory_space<vmem>>) target(%dma_start3A_42 : memref<10000x32xf32, #tpu.memory_space<vmem_shared>>) offsets(%dma_start3A_39 : memref<128xi32, #tpu.memory_space<vmem>>) semaphore(%run_scoped3A_34 : memref<!tpu.dma_semaphore, #tpu.memory_space<semaphore_mem>>) {add = true}
        %dma_wait3A = arith.constant 512 : i32
        %dma_wait3A_43 = arith.constant 0 : i32
        %dma_wait3A_44 = tpu.memref_slice %arg6[%dma_wait3A, %dma_wait3A_43] : memref<768x32xf32, #tpu.memory_space<vmem>> -> memref<128x32xf32, #tpu.memory_space<vmem>>
        %dma_wait3A_45 = arith.constant 0 : i32
        %dma_wait3A_46 = tpu.memref_slice %arg5[%run_scoped3A_32, %dma_wait3A_45] : memref<6x128xi32, #tpu.memory_space<vmem>> -> memref<1x128xi32, #tpu.memory_space<vmem>>
        %dma_wait3A_47 = tpu.memref_squeeze %dma_wait3A_46 : memref<1x128xi32, #tpu.memory_space<vmem>> -> memref<128xi32, #tpu.memory_space<vmem>>
        %dma_wait3A_48 = arith.constant 0 : i32
        %dma_wait3A_49 = arith.constant 0 : i32
        %dma_wait3A_50 = tpu.memref_slice %arg8[%dma_wait3A_48, %dma_wait3A_49] : memref<10000x32xf32, #tpu.memory_space<vmem_shared>> -> memref<10000x32xf32, #tpu.memory_space<vmem_shared>>
        tpu.wait_indirect_dma semaphore(%run_scoped3A_34 : memref<!tpu.dma_semaphore, #tpu.memory_space<semaphore_mem>>) src(%dma_wait3A_44 : memref<128x32xf32, #tpu.memory_space<vmem>>) dst(%dma_wait3A_50 : memref<10000x32xf32, #tpu.memory_space<vmem_shared>>)
        tpu.yield
      }) : () -> ()
      %run_scoped3A_33 = arith.constant 5 : i32
      "tpu.region"() ({
        %run_scoped3A_34 = tpu.sem_alloc : memref<!tpu.dma_semaphore, #tpu.memory_space<semaphore_mem>>
        %dma_start3A = arith.constant 640 : i32
        %dma_start3A_35 = arith.constant 0 : i32
        %dma_start3A_36 = tpu.memref_slice %arg6[%dma_start3A, %dma_start3A_35] : memref<768x32xf32, #tpu.memory_space<vmem>> -> memref<128x32xf32, #tpu.memory_space<vmem>>
        %dma_start3A_37 = arith.constant 0 : i32
        %dma_start3A_38 = tpu.memref_slice %arg5[%run_scoped3A_33, %dma_start3A_37] : memref<6x128xi32, #tpu.memory_space<vmem>> -> memref<1x128xi32, #tpu.memory_space<vmem>>
        %dma_start3A_39 = tpu.memref_squeeze %dma_start3A_38 : memref<1x128xi32, #tpu.memory_space<vmem>> -> memref<128xi32, #tpu.memory_space<vmem>>
        %dma_start3A_40 = arith.constant 0 : i32
        %dma_start3A_41 = arith.constant 0 : i32
        %dma_start3A_42 = tpu.memref_slice %arg8[%dma_start3A_40, %dma_start3A_41] : memref<10000x32xf32, #tpu.memory_space<vmem_shared>> -> memref<10000x32xf32, #tpu.memory_space<vmem_shared>>
        tpu.enqueue_indirect_dma source(%dma_start3A_36 : memref<128x32xf32, #tpu.memory_space<vmem>>) target(%dma_start3A_42 : memref<10000x32xf32, #tpu.memory_space<vmem_shared>>) offsets(%dma_start3A_39 : memref<128xi32, #tpu.memory_space<vmem>>) semaphore(%run_scoped3A_34 : memref<!tpu.dma_semaphore, #tpu.memory_space<semaphore_mem>>) {add = true}
        %dma_wait3A = arith.constant 640 : i32
        %dma_wait3A_43 = arith.constant 0 : i32
        %dma_wait3A_44 = tpu.memref_slice %arg6[%dma_wait3A, %dma_wait3A_43] : memref<768x32xf32, #tpu.memory_space<vmem>> -> memref<128x32xf32, #tpu.memory_space<vmem>>
        %dma_wait3A_45 = arith.constant 0 : i32
        %dma_wait3A_46 = tpu.memref_slice %arg5[%run_scoped3A_33, %dma_wait3A_45] : memref<6x128xi32, #tpu.memory_space<vmem>> -> memref<1x128xi32, #tpu.memory_space<vmem>>
        %dma_wait3A_47 = tpu.memref_squeeze %dma_wait3A_46 : memref<1x128xi32, #tpu.memory_space<vmem>> -> memref<128xi32, #tpu.memory_space<vmem>>
        %dma_wait3A_48 = arith.constant 0 : i32
        %dma_wait3A_49 = arith.constant 0 : i32
        %dma_wait3A_50 = tpu.memref_slice %arg8[%dma_wait3A_48, %dma_wait3A_49] : memref<10000x32xf32, #tpu.memory_space<vmem_shared>> -> memref<10000x32xf32, #tpu.memory_space<vmem_shared>>
        tpu.wait_indirect_dma semaphore(%run_scoped3A_34 : memref<!tpu.dma_semaphore, #tpu.memory_space<semaphore_mem>>) src(%dma_wait3A_44 : memref<128x32xf32, #tpu.memory_space<vmem>>) dst(%dma_wait3A_50 : memref<10000x32xf32, #tpu.memory_space<vmem_shared>>)
        tpu.yield
      }) : () -> ()
    }
    %scan3A_12 = arith.constant 13 : i32
    %lt3A = arith.constant 2 : i32
    %lt3A_13 = arith.cmpi slt, %arg1, %lt3A : i32
    %convert_element_type3A = arith.extui %lt3A_13 : i1 to i32
    %cond3A = arith.constant 0 : i32
    %cond3A_14 = arith.cmpi ne, %convert_element_type3A, %cond3A : i32
    scf.if %cond3A_14 {
      %add3A = arith.constant 1248 : i32
      %add3A_20 = arith.addi %add3A, %arg1 : i32
      "tpu.region"() ({
        %run_scoped3A_25 = tpu.sem_alloc : memref<!tpu.dma_semaphore, #tpu.memory_space<semaphore_mem>>
        %dma_start3A = arith.constant 0 : i32
        %dma_start3A_26 = arith.constant 0 : i32
        %dma_start3A_27 = tpu.memref_slice %arg5[%dma_start3A, %dma_start3A_26] : memref<6x128xi32, #tpu.memory_space<vmem>> -> memref<1x128xi32, #tpu.memory_space<vmem>>
        %dma_start3A_28 = arith.constant 0 : i32
        %dma_start3A_29 = tpu.memref_slice %arg3[%add3A_20, %dma_start3A_28] : memref<1250x128xi32, #tpu.memory_space<hbm>> -> memref<1x128xi32, #tpu.memory_space<hbm>>
        %dma_start3A_30 = arith.constant 0 : i32
        %dma_start3A_31 = arith.constant 0 : i32
        %dma_start3A_32 = tpu.memref_slice %arg5[%dma_start3A_30, %dma_start3A_31] : memref<6x128xi32, #tpu.memory_space<vmem>> -> memref<1x128xi32, #tpu.memory_space<vmem>>
        %dma_start3A_33 = arith.constant 0 : i32
        %dma_start3A_34 = tpu.memref_slice %arg3[%add3A_20, %dma_start3A_33] : memref<1250x128xi32, #tpu.memory_space<hbm>> -> memref<1x128xi32, #tpu.memory_space<hbm>>
        tpu.enqueue_dma source(%dma_start3A_34 : memref<1x128xi32, #tpu.memory_space<hbm>>) target(%dma_start3A_32 : memref<1x128xi32, #tpu.memory_space<vmem>>) target_semaphore(%run_scoped3A_25 : memref<!tpu.dma_semaphore, #tpu.memory_space<semaphore_mem>>)
        %dma_wait3A = arith.constant 0 : i32
        %dma_wait3A_35 = arith.constant 0 : i32
        %dma_wait3A_36 = tpu.memref_slice %arg5[%dma_wait3A, %dma_wait3A_35] : memref<6x128xi32, #tpu.memory_space<vmem>> -> memref<1x128xi32, #tpu.memory_space<vmem>>
        %dma_wait3A_37 = arith.constant 0 : i32
        %dma_wait3A_38 = tpu.memref_slice %arg3[%add3A_20, %dma_wait3A_37] : memref<1250x128xi32, #tpu.memory_space<hbm>> -> memref<1x128xi32, #tpu.memory_space<hbm>>
        %dma_wait3A_39 = arith.constant 0 : i32
        %dma_wait3A_40 = arith.constant 0 : i32
        %dma_wait3A_41 = tpu.memref_slice %arg5[%dma_wait3A_39, %dma_wait3A_40] : memref<6x128xi32, #tpu.memory_space<vmem>> -> memref<1x128xi32, #tpu.memory_space<vmem>>
        %dma_wait3A_42 = arith.constant 0 : i32
        %dma_wait3A_43 = tpu.memref_slice %arg3[%add3A_20, %dma_wait3A_42] : memref<1250x128xi32, #tpu.memory_space<hbm>> -> memref<1x128xi32, #tpu.memory_space<hbm>>
        tpu.wait_dma2 semaphore(%run_scoped3A_25 : memref<!tpu.dma_semaphore, #tpu.memory_space<semaphore_mem>>) src(%dma_wait3A_43 : memref<1x128xi32, #tpu.memory_space<hbm>>) dst(%dma_wait3A_41 : memref<1x128xi32, #tpu.memory_space<vmem>>)
        tpu.yield
      }) : () -> ()
      %mul3A_21 = arith.constant 128 : i32
      %mul3A_22 = arith.muli %add3A_20, %mul3A_21 : i32
      %mul3A_23 = arith.constant 32 : i32
      %mul3A_24 = arith.muli %arg0, %mul3A_23 : i32
      "tpu.region"() ({
        %run_scoped3A_25 = tpu.sem_alloc : memref<!tpu.dma_semaphore, #tpu.memory_space<semaphore_mem>>
        %dma_start3A = arith.constant 0 : i32
        %dma_start3A_26 = arith.constant 0 : i32
        %dma_start3A_27 = tpu.memref_slice %arg6[%dma_start3A, %dma_start3A_26] : memref<768x32xf32, #tpu.memory_space<vmem>> -> memref<128x32xf32, #tpu.memory_space<vmem>>
        %dma_start3A_28 = tpu.memref_slice %arg2[%mul3A_22, %mul3A_24] : memref<160000x64xf32, #tpu.memory_space<hbm>> -> memref<128x32xf32, #tpu.memory_space<hbm>>
        %dma_start3A_29 = arith.constant 0 : i32
        %dma_start3A_30 = arith.constant 0 : i32
        %dma_start3A_31 = tpu.memref_slice %arg6[%dma_start3A_29, %dma_start3A_30] : memref<768x32xf32, #tpu.memory_space<vmem>> -> memref<128x32xf32, #tpu.memory_space<vmem>>
        %dma_start3A_32 = tpu.memref_slice %arg2[%mul3A_22, %mul3A_24] : memref<160000x64xf32, #tpu.memory_space<hbm>> -> memref<128x32xf32, #tpu.memory_space<hbm>>
        tpu.enqueue_dma source(%dma_start3A_32 : memref<128x32xf32, #tpu.memory_space<hbm>>) target(%dma_start3A_31 : memref<128x32xf32, #tpu.memory_space<vmem>>) target_semaphore(%run_scoped3A_25 : memref<!tpu.dma_semaphore, #tpu.memory_space<semaphore_mem>>)
        %dma_wait3A = arith.constant 0 : i32
        %dma_wait3A_33 = arith.constant 0 : i32
        %dma_wait3A_34 = tpu.memref_slice %arg6[%dma_wait3A, %dma_wait3A_33] : memref<768x32xf32, #tpu.memory_space<vmem>> -> memref<128x32xf32, #tpu.memory_space<vmem>>
        %dma_wait3A_35 = tpu.memref_slice %arg2[%mul3A_22, %mul3A_24] : memref<160000x64xf32, #tpu.memory_space<hbm>> -> memref<128x32xf32, #tpu.memory_space<hbm>>
        %dma_wait3A_36 = arith.constant 0 : i32
        %dma_wait3A_37 = arith.constant 0 : i32
        %dma_wait3A_38 = tpu.memref_slice %arg6[%dma_wait3A_36, %dma_wait3A_37] : memref<768x32xf32, #tpu.memory_space<vmem>> -> memref<128x32xf32, #tpu.memory_space<vmem>>
        %dma_wait3A_39 = tpu.memref_slice %arg2[%mul3A_22, %mul3A_24] : memref<160000x64xf32, #tpu.memory_space<hbm>> -> memref<128x32xf32, #tpu.memory_space<hbm>>
        tpu.wait_dma2 semaphore(%run_scoped3A_25 : memref<!tpu.dma_semaphore, #tpu.memory_space<semaphore_mem>>) src(%dma_wait3A_39 : memref<128x32xf32, #tpu.memory_space<hbm>>) dst(%dma_wait3A_38 : memref<128x32xf32, #tpu.memory_space<vmem>>)
        tpu.yield
      }) : () -> ()
      %run_scoped3A = arith.constant 0 : i32
      "tpu.region"() ({
        %run_scoped3A_25 = tpu.sem_alloc : memref<!tpu.dma_semaphore, #tpu.memory_space<semaphore_mem>>
        %dma_start3A = arith.constant 0 : i32
        %dma_start3A_26 = arith.constant 0 : i32
        %dma_start3A_27 = tpu.memref_slice %arg6[%dma_start3A, %dma_start3A_26] : memref<768x32xf32, #tpu.memory_space<vmem>> -> memref<128x32xf32, #tpu.memory_space<vmem>>
        %dma_start3A_28 = arith.constant 0 : i32
        %dma_start3A_29 = tpu.memref_slice %arg5[%run_scoped3A, %dma_start3A_28] : memref<6x128xi32, #tpu.memory_space<vmem>> -> memref<1x128xi32, #tpu.memory_space<vmem>>
        %dma_start3A_30 = tpu.memref_squeeze %dma_start3A_29 : memref<1x128xi32, #tpu.memory_space<vmem>> -> memref<128xi32, #tpu.memory_space<vmem>>
        %dma_start3A_31 = arith.constant 0 : i32
        %dma_start3A_32 = arith.constant 0 : i32
        %dma_start3A_33 = tpu.memref_slice %arg8[%dma_start3A_31, %dma_start3A_32] : memref<10000x32xf32, #tpu.memory_space<vmem_shared>> -> memref<10000x32xf32, #tpu.memory_space<vmem_shared>>
        tpu.enqueue_indirect_dma source(%dma_start3A_27 : memref<128x32xf32, #tpu.memory_space<vmem>>) target(%dma_start3A_33 : memref<10000x32xf32, #tpu.memory_space<vmem_shared>>) offsets(%dma_start3A_30 : memref<128xi32, #tpu.memory_space<vmem>>) semaphore(%run_scoped3A_25 : memref<!tpu.dma_semaphore, #tpu.memory_space<semaphore_mem>>) {add = true}
        %dma_wait3A = arith.constant 0 : i32
        %dma_wait3A_34 = arith.constant 0 : i32
        %dma_wait3A_35 = tpu.memref_slice %arg6[%dma_wait3A, %dma_wait3A_34] : memref<768x32xf32, #tpu.memory_space<vmem>> -> memref<128x32xf32, #tpu.memory_space<vmem>>
        %dma_wait3A_36 = arith.constant 0 : i32
        %dma_wait3A_37 = tpu.memref_slice %arg5[%run_scoped3A, %dma_wait3A_36] : memref<6x128xi32, #tpu.memory_space<vmem>> -> memref<1x128xi32, #tpu.memory_space<vmem>>
        %dma_wait3A_38 = tpu.memref_squeeze %dma_wait3A_37 : memref<1x128xi32, #tpu.memory_space<vmem>> -> memref<128xi32, #tpu.memory_space<vmem>>
        %dma_wait3A_39 = arith.constant 0 : i32
        %dma_wait3A_40 = arith.constant 0 : i32
        %dma_wait3A_41 = tpu.memref_slice %arg8[%dma_wait3A_39, %dma_wait3A_40] : memref<10000x32xf32, #tpu.memory_space<vmem_shared>> -> memref<10000x32xf32, #tpu.memory_space<vmem_shared>>
        tpu.wait_indirect_dma semaphore(%run_scoped3A_25 : memref<!tpu.dma_semaphore, #tpu.memory_space<semaphore_mem>>) src(%dma_wait3A_35 : memref<128x32xf32, #tpu.memory_space<vmem>>) dst(%dma_wait3A_41 : memref<10000x32xf32, #tpu.memory_space<vmem_shared>>)
        tpu.yield
      }) : () -> ()
    } else {
    }
    %barrier3A_15 = arith.constant 0 : index
    tpu.barrier barrier_id(%barrier3A_15)
    %mul3A_16 = arith.constant 625 : i32
    %mul3A_17 = arith.muli %arg1, %mul3A_16 : i32
    "tpu.region"() ({
      %run_scoped3A = tpu.sem_alloc : memref<!tpu.dma_semaphore, #tpu.memory_space<semaphore_mem>>
      %dma_start3A = arith.constant 0 : i32
      %dma_start3A_20 = tpu.memref_slice %arg8[%mul3A_17, %dma_start3A] : memref<10000x32xf32, #tpu.memory_space<vmem_shared>> -> memref<625x32xf32, #tpu.memory_space<vmem_shared>>
      %dma_start3A_21 = arith.constant 0 : i32
      %dma_start3A_22 = tpu.memref_slice %arg8[%mul3A_17, %dma_start3A_21] : memref<10000x32xf32, #tpu.memory_space<vmem_shared>> -> memref<625x32xf32, #tpu.memory_space<vmem_shared>>
      tpu.enqueue_dma source(%dma_start3A_22 : memref<625x32xf32, #tpu.memory_space<vmem_shared>>) target(%arg7 : memref<625x32xf32, #tpu.memory_space<vmem>>) target_semaphore(%run_scoped3A : memref<!tpu.dma_semaphore, #tpu.memory_space<semaphore_mem>>)
      %dma_wait3A = arith.constant 0 : i32
      %dma_wait3A_23 = tpu.memref_slice %arg8[%mul3A_17, %dma_wait3A] : memref<10000x32xf32, #tpu.memory_space<vmem_shared>> -> memref<625x32xf32, #tpu.memory_space<vmem_shared>>
      %dma_wait3A_24 = arith.constant 0 : i32
      %dma_wait3A_25 = tpu.memref_slice %arg8[%mul3A_17, %dma_wait3A_24] : memref<10000x32xf32, #tpu.memory_space<vmem_shared>> -> memref<625x32xf32, #tpu.memory_space<vmem_shared>>
      tpu.wait_dma2 semaphore(%run_scoped3A : memref<!tpu.dma_semaphore, #tpu.memory_space<semaphore_mem>>) src(%dma_wait3A_25 : memref<625x32xf32, #tpu.memory_space<vmem_shared>>) dst(%arg7 : memref<625x32xf32, #tpu.memory_space<vmem>>)
      tpu.yield
    }) : () -> ()
    %mul3A_18 = arith.constant 625 : i32
    %mul3A_19 = arith.muli %arg1, %mul3A_18 : i32
    "tpu.region"() ({
      %run_scoped3A = tpu.sem_alloc : memref<!tpu.dma_semaphore, #tpu.memory_space<semaphore_mem>>
      %dma_start3A = arith.constant 0 : i32
      %dma_start3A_20 = tpu.memref_slice %arg4[%arg0, %mul3A_19, %dma_start3A] : memref<2x10000x32xf32, #tpu.memory_space<hbm>> -> memref<1x625x32xf32, #tpu.memory_space<hbm>>
      %dma_start3A_21 = tpu.memref_squeeze %dma_start3A_20 : memref<1x625x32xf32, #tpu.memory_space<hbm>> -> memref<625x32xf32, #tpu.memory_space<hbm>>
      %dma_start3A_22 = arith.constant 0 : i32
      %dma_start3A_23 = tpu.memref_slice %arg4[%arg0, %mul3A_19, %dma_start3A_22] : memref<2x10000x32xf32, #tpu.memory_space<hbm>> -> memref<1x625x32xf32, #tpu.memory_space<hbm>>
      %dma_start3A_24 = tpu.memref_squeeze %dma_start3A_23 : memref<1x625x32xf32, #tpu.memory_space<hbm>> -> memref<625x32xf32, #tpu.memory_space<hbm>>
      tpu.enqueue_dma source(%arg7 : memref<625x32xf32, #tpu.memory_space<vmem>>) target(%dma_start3A_24 : memref<625x32xf32, #tpu.memory_space<hbm>>) target_semaphore(%run_scoped3A : memref<!tpu.dma_semaphore, #tpu.memory_space<semaphore_mem>>)
      %dma_wait3A = arith.constant 0 : i32
      %dma_wait3A_25 = tpu.memref_slice %arg4[%arg0, %mul3A_19, %dma_wait3A] : memref<2x10000x32xf32, #tpu.memory_space<hbm>> -> memref<1x625x32xf32, #tpu.memory_space<hbm>>
      %dma_wait3A_26 = tpu.memref_squeeze %dma_wait3A_25 : memref<1x625x32xf32, #tpu.memory_space<hbm>> -> memref<625x32xf32, #tpu.memory_space<hbm>>
      %dma_wait3A_27 = arith.constant 0 : i32
      %dma_wait3A_28 = tpu.memref_slice %arg4[%arg0, %mul3A_19, %dma_wait3A_27] : memref<2x10000x32xf32, #tpu.memory_space<hbm>> -> memref<1x625x32xf32, #tpu.memory_space<hbm>>
      %dma_wait3A_29 = tpu.memref_squeeze %dma_wait3A_28 : memref<1x625x32xf32, #tpu.memory_space<hbm>> -> memref<625x32xf32, #tpu.memory_space<hbm>>
      tpu.wait_dma2 semaphore(%run_scoped3A : memref<!tpu.dma_semaphore, #tpu.memory_space<semaphore_mem>>) src(%arg7 : memref<625x32xf32, #tpu.memory_space<vmem>>) dst(%dma_wait3A_29 : memref<625x32xf32, #tpu.memory_space<hbm>>)
      tpu.yield
    }) : () -> ()
    return
  }
}

module attributes {stable_mosaic.version = 14 : i64} {
  func.func @_tc_body(%arg0: i32, %arg1: memref<1280x10xf32, #tpu.memory_space<vmem>>, %arg2: memref<1280x16xf32, #tpu.memory_space<vmem>>, %arg3: memref<1280x4xf32, #tpu.memory_space<vmem>>, %arg4: memref<10x256xf32, #tpu.memory_space<vmem>>, %arg5: memref<256x512xbf16, #tpu.memory_space<vmem>>, %arg6: memref<16x512xbf16, #tpu.memory_space<vmem>>, %arg7: memref<512x64xbf16, #tpu.memory_space<vmem>>, %arg8: memref<4x64xf32, #tpu.memory_space<vmem>>, %arg9: memref<1280x64xf32, #tpu.memory_space<vmem>>) attributes {dimension_semantics = [#tpu.dimension_semantics<arbitrary>], iteration_bounds = array<i64: 125>, scalar_prefetch = 0 : i64, scratch_operands = 0 : i64, tpu.core_type = #tpu.core_type<tc>, window_params = [{transform_indices = @transform_0, window_bounds = array<i64: 1280, 10>}, {transform_indices = @transform_1, window_bounds = array<i64: 1280, 16>}, {transform_indices = @transform_2, window_bounds = array<i64: 1280, 4>}, {pipeline_mode = #tpu.pipeline_mode<synchronous>, transform_indices = @transform_3, window_bounds = array<i64: 10, 256>}, {pipeline_mode = #tpu.pipeline_mode<synchronous>, transform_indices = @transform_4, window_bounds = array<i64: 256, 512>}, {pipeline_mode = #tpu.pipeline_mode<synchronous>, transform_indices = @transform_5, window_bounds = array<i64: 16, 512>}, {pipeline_mode = #tpu.pipeline_mode<synchronous>, transform_indices = @transform_6, window_bounds = array<i64: 512, 64>}, {pipeline_mode = #tpu.pipeline_mode<synchronous>, transform_indices = @transform_7, window_bounds = array<i64: 4, 64>}, {transform_indices = @transform_8, window_bounds = array<i64: 1280, 64>}]} {
    %get3A = arith.constant 0 : index
    %get3A_0 = arith.constant 0 : index
    %get3A_1 = vector.load %arg1[%get3A, %get3A_0] : memref<1280x10xf32, #tpu.memory_space<vmem>>, vector<1280x10xf32>
    %get3A_2 = arith.constant 0 : index
    %get3A_3 = arith.constant 0 : index
    %get3A_4 = vector.load %arg4[%get3A_2, %get3A_3] : memref<10x256xf32, #tpu.memory_space<vmem>>, vector<10x256xf32>
    %dot_general3A = arith.constant dense<0.000000e+00> : vector<1280x256xf32>
    %dot_general3A_5 = tpu.matmul %get3A_1, %get3A_4, %dot_general3A {dimension_numbers = #tpu.dot_dimension_numbers<[1], [0], [0], [1], [0, 0, 1, 1], [], []>, transpose_lhs_hint = false} : vector<1280x10xf32>, vector<10x256xf32>, vector<1280x256xf32> -> vector<1280x256xf32>
    %max3A = arith.constant 0.000000e+00 : f32
    %max3A_6 = vector.broadcast %max3A : f32 to vector<1280x256xf32>
    %max3A_7 = arith.maximumf %dot_general3A_5, %max3A_6 : vector<1280x256xf32>
    %convert_element_type3A = arith.truncf %max3A_7 : vector<1280x256xf32> to vector<1280x256xbf16>
    %get3A_8 = arith.constant 0 : index
    %get3A_9 = arith.constant 0 : index
    %get3A_10 = vector.load %arg5[%get3A_8, %get3A_9] : memref<256x512xbf16, #tpu.memory_space<vmem>>, vector<256x512xbf16>
    %dot_general3A_11 = arith.constant dense<0.000000e+00> : vector<1280x512xf32>
    %dot_general3A_12 = tpu.matmul %convert_element_type3A, %get3A_10, %dot_general3A_11 {dimension_numbers = #tpu.dot_dimension_numbers<[1], [0], [0], [1], [0, 0, 1, 1], [], []>, transpose_lhs_hint = false} : vector<1280x256xbf16>, vector<256x512xbf16>, vector<1280x512xf32> -> vector<1280x512xf32>
    %convert_element_type3A_13 = arith.truncf %dot_general3A_12 : vector<1280x512xf32> to vector<1280x512xbf16>
    %get3A_14 = arith.constant 0 : index
    %get3A_15 = arith.constant 0 : index
    %get3A_16 = vector.load %arg2[%get3A_14, %get3A_15] : memref<1280x16xf32, #tpu.memory_space<vmem>>, vector<1280x16xf32>
    %convert_element_type3A_17 = arith.truncf %get3A_16 : vector<1280x16xf32> to vector<1280x16xbf16>
    %get3A_18 = arith.constant 0 : index
    %get3A_19 = arith.constant 0 : index
    %get3A_20 = vector.load %arg6[%get3A_18, %get3A_19] : memref<16x512xbf16, #tpu.memory_space<vmem>>, vector<16x512xbf16>
    %dot_general3A_21 = arith.constant dense<0.000000e+00> : vector<1280x512xf32>
    %dot_general3A_22 = tpu.matmul %convert_element_type3A_17, %get3A_20, %dot_general3A_21 {dimension_numbers = #tpu.dot_dimension_numbers<[1], [0], [0], [1], [0, 0, 1, 1], [], []>, transpose_lhs_hint = false} : vector<1280x16xbf16>, vector<16x512xbf16>, vector<1280x512xf32> -> vector<1280x512xf32>
    %convert_element_type3A_23 = arith.truncf %dot_general3A_22 : vector<1280x512xf32> to vector<1280x512xbf16>
    %mul3A = arith.mulf %convert_element_type3A_13, %convert_element_type3A_23 : vector<1280x512xbf16>
    %get3A_24 = arith.constant 0 : index
    %get3A_25 = arith.constant 0 : index
    %get3A_26 = vector.load %arg7[%get3A_24, %get3A_25] : memref<512x64xbf16, #tpu.memory_space<vmem>>, vector<512x64xbf16>
    %dot_general3A_27 = arith.constant dense<0.000000e+00> : vector<1280x64xf32>
    %dot_general3A_28 = tpu.matmul %mul3A, %get3A_26, %dot_general3A_27 {dimension_numbers = #tpu.dot_dimension_numbers<[1], [0], [0], [1], [0, 0, 1, 1], [], []>, transpose_lhs_hint = false} : vector<1280x512xbf16>, vector<512x64xbf16>, vector<1280x64xf32> -> vector<1280x64xf32>
    %get3A_29 = arith.constant 0 : index
    %get3A_30 = arith.constant 0 : index
    %get3A_31 = vector.load %arg3[%get3A_29, %get3A_30] : memref<1280x4xf32, #tpu.memory_space<vmem>>, vector<1280x4xf32>
    %get3A_32 = arith.constant 0 : index
    %get3A_33 = arith.constant 0 : index
    %get3A_34 = vector.load %arg8[%get3A_32, %get3A_33] : memref<4x64xf32, #tpu.memory_space<vmem>>, vector<4x64xf32>
    %dot_general3A_35 = arith.constant dense<0.000000e+00> : vector<1280x64xf32>
    %dot_general3A_36 = tpu.matmul %get3A_31, %get3A_34, %dot_general3A_35 {dimension_numbers = #tpu.dot_dimension_numbers<[1], [0], [0], [1], [0, 0, 1, 1], [], []>, transpose_lhs_hint = false} : vector<1280x4xf32>, vector<4x64xf32>, vector<1280x64xf32> -> vector<1280x64xf32>
    %mul3A_37 = arith.mulf %dot_general3A_28, %dot_general3A_36 : vector<1280x64xf32>
    %swap3A = arith.constant 0 : index
    %swap3A_38 = arith.constant 0 : index
    %swap3A_39 = vector.load %arg9[%swap3A, %swap3A_38] : memref<1280x64xf32, #tpu.memory_space<vmem>>, vector<1280x64xf32>
    tpu.vector_store %arg9[%swap3A, %swap3A_38], %mul3A_37 {strides = array<i32>} : memref<1280x64xf32, #tpu.memory_space<vmem>>, vector<1280x64xf32>,
    return
  }
  func.func @transform_0(%arg0: i32) -> (i32, i32) {
    %c0_i32 = arith.constant 0 : i32
    %c0_i32_0 = arith.constant 0 : i32
    return %arg0, %c0_i32 : i32, i32
  }
  func.func @transform_1(%arg0: i32) -> (i32, i32) {
    %c0_i32 = arith.constant 0 : i32
    %c0_i32_0 = arith.constant 0 : i32
    return %arg0, %c0_i32 : i32, i32
  }
  func.func @transform_2(%arg0: i32) -> (i32, i32) {
    %c0_i32 = arith.constant 0 : i32
    %c0_i32_0 = arith.constant 0 : i32
    return %arg0, %c0_i32 : i32, i32
  }
  func.func @transform_3(%arg0: i32) -> (i32, i32) {
    %c0_i32 = arith.constant 0 : i32
    %c0_i32_0 = arith.constant 0 : i32
    %c0_i32_1 = arith.constant 0 : i32
    return %c0_i32, %c0_i32_0 : i32, i32
  }
  func.func @transform_4(%arg0: i32) -> (i32, i32) {
    %c0_i32 = arith.constant 0 : i32
    %c0_i32_0 = arith.constant 0 : i32
    %c0_i32_1 = arith.constant 0 : i32
    return %c0_i32, %c0_i32_0 : i32, i32
  }
  func.func @transform_5(%arg0: i32) -> (i32, i32) {
    %c0_i32 = arith.constant 0 : i32
    %c0_i32_0 = arith.constant 0 : i32
    %c0_i32_1 = arith.constant 0 : i32
    return %c0_i32, %c0_i32_0 : i32, i32
  }
  func.func @transform_6(%arg0: i32) -> (i32, i32) {
    %c0_i32 = arith.constant 0 : i32
    %c0_i32_0 = arith.constant 0 : i32
    %c0_i32_1 = arith.constant 0 : i32
    return %c0_i32, %c0_i32_0 : i32, i32
  }
  func.func @transform_7(%arg0: i32) -> (i32, i32) {
    %c0_i32 = arith.constant 0 : i32
    %c0_i32_0 = arith.constant 0 : i32
    %c0_i32_1 = arith.constant 0 : i32
    return %c0_i32, %c0_i32_0 : i32, i32
  }
  func.func @transform_8(%arg0: i32) -> (i32, i32) {
    %c0_i32 = arith.constant 0 : i32
    %c0_i32_0 = arith.constant 0 : i32
    return %arg0, %c0_i32 : i32, i32
  }
}

</mosaic_0001>

<sc_bundles>
// kernel: kernel.5.cloned.1.call-start
scs
__scs_entry_jumppad:
0x0: {  	(pc) =	sbr.rel $0x88, $3  }
0x1: {  	(tag) =	ssettag $0x0;
	lr =	simm.s32 $0x1  }
0x2: {  	[smem:$0x3F9A] =	sst lr;
	_ =	strace $0xD0000000  }
0x3: {  	_ = 	snop  }
0x4: {  	_ = 	snop  }
0x5: {  	_ = 	snop  }
0x6: {  	_ = 	snop  }
0x7: {  	_ = 	snop  }
__scs_overlays_trampoline_lowered:
0x8: {  	[smem:$0x3FA9] =	sst s0  }
0x9: {  	[smem:$0x3FAA] =	sst s1  }
0xa: {  	[smem:$0x3FAB] =	sst s2  }
0xb: {  	[smem:$0x3FAC] =	sst s3  }
0xc: {  	[smem:$0x3FAD] =	sst s4  }
0xd: {  	[smem:$0x3FAE] =	sst s5  }
0xe: {  	[smem:$0x3FAF] =	sst s6  }
0xf: {  	[smem:$0x3FB0] =	sst s7  }
0x10: {  	[smem:$0x3FB1] =	sst s8  }
0x11: {  	[smem:$0x3FB2] =	sst s9;
	s0 =	simm.s32 @!p0 $0x0  }
0x12: {  	s1 =	sld [smem:$0x3F98];
	s0 =	simm.s32 @p0 $0x1  }
0x13: {  	[smem:$0x3FB3] =	sst s0;
	s0 =	simm.s32 @!p1 $0x0  }
0x14: {  	s2 =	sld [smem:$0x3F97];
	s0 =	simm.s32 @p1 $0x1  }
0x15: {  	[smem:$0x3FB4] =	sst s0;
	s0 =	simm.s32 @!p2 $0x0  }
0x16: {  	s3 =	sld [smem:$0x3FDB];
	s0 =	simm.s32 @p2 $0x1  }
0x17: {  	s4 =	simm.s32 $0x1BF5;
	[smem:$0x3FB6] =	sst s0  }
0x18: {  	s0 =	sld [smem:$0x3F99];
	_ =	swait.ge [sflag:s4], $0x0  }
0x19: {  	s7 =	sld [smem:$0x3F9A]  }
0x1a: {  	s8 =	sadd.s32 $0xFFFFE003, lr  }
0x1b: {  	s9 =	sadd.s32 $0xFFFFFEF7, lr;
	s5 =	simm.s32 $0xFFFFFFFF;
	p2 =	slt.u32 s8, $0xFFFFF086  }
0x1c: {  	p1 =	slt.u32 s9, $0xF7A;
	s5 =	simm.s32 @!p2 $0x0  }
0x1d: {  	s5 =	simm.s32 @p1 $0x1;
	p0 =	seq.s32 s7, s2  }
0x1e: {  	s7 =	smul.u32 @!p0 $0xF7A, s2;
	p2 =	seq.s32 @!p0 s5, $0x0  }
0x1f: {  	s9 =	smul.u32 $0xF7A, s1;
	s8 =	simm.s32 @!p0 $0x1BF5;
	p2 =	por !p2, p0  }
0x20: {  	[sflag:s8] =	ssyncset.s32 @!p0 $0xFFFFF086;
	s6 =	sadd.s32 @!p0 s3, s7;
	s7 =	simm.s32 @!p0 $0x108  }
0x21: {  	s3 =	sadd.s32 s3, s9;
	s6 =	sadd.s32 @!p0 $0x88, s6;
	s7 =	simm.s32 @p2 $0x1082  }
0x22: {  	[simem:s7], [sflag:s8] =	dma.local @!p0 [hbm:s6], $0xF7A  }
0x23: {  	s9 =	sor.u32 $0xD0000000, s2;
	s6 =	simm.s32 $0x108;
	_ =	swait.ge @!p0 [sflag:s8], $0x0  }
0x24: {  	s3 =	sadd.s32 $0x88, s3;
	s6 =	simm.s32 @!p1 $0x1082;
	[sflag:s4] =	ssyncset.s32 $0xFFFFF086  }
0x25: {  	[simem:s6], [sflag:s4] =	dma.local [hbm:s3], $0xF7A  }
0x26: {  	[smem:$0x3F9A] =	sst s1;
	(tag) =	ssettag s2;
	_ =	strace s9  }
0x27: {  	s1 =	sld [smem:$0x3FAA]  }
0x28: {  	s2 =	sld [smem:$0x3FAB]  }
0x29: {  	s4 =	sld [smem:$0x3FAD]  }
0x2a: {  	p0 =	seq.s32 s5, $0x0;
	s5 =	sld [smem:$0x3FAE]  }
0x2b: {  	s6 =	sld [smem:$0x3FAF]  }
0x2c: {  	s7 =	sld [smem:$0x3FB0]  }
0x2d: {  	s3 =	simm.s32 $0x108;
	s8 =	sld [smem:$0x3FB1]  }
0x2e: {  	s3 =	simm.s32 @!p0 $0x1082;
	s9 =	sld [smem:$0x3FB2]  }
0x2f: {  	lr =	sadd.s32 s0, s3;
	s0 =	sld [smem:$0x3FA9]  }
0x30: {  	s3 =	sld [smem:$0x3FAC]  }
0x31: {  	[smem:$0x3FB5] =	sst s10  }
0x32: {  	s10 =	sld [smem:$0x3FB3];
	_ =	sdelay $0x3  }
0x33: {  	p0 =	seq.s32 s10, $0x1;
	s10 =	sld [smem:$0x3FB5];
	_ =	sdelay $0x3  }
0x34: {  	[smem:$0x3FB5] =	sst s10  }
0x35: {  	s10 =	sld [smem:$0x3FB4];
	_ =	sdelay $0x3  }
0x36: {  	p1 =	seq.s32 s10, $0x1;
	s10 =	sld [smem:$0x3FB5];
	_ =	sdelay $0x3  }
0x37: {  	[smem:$0x3FB5] =	sst s10  }
0x38: {  	s10 =	sld [smem:$0x3FB6]  }
0x39: {  	_ = 	snop;
	(pc) =	sbr.ind lr, $3  }
0x3a: {  	_ = 	snop  }
0x3b: {  	_ = 	snop  }
0x3c: {  	p2 =	seq.s32 s10, $0x1;
	s10 =	sld [smem:$0x3FB5]  }
0x3d: {  	_ =	shalt  }
0x3e: {  	_ =	shalt  }
0x3f: {  	_ =	shalt  }
0x40: {  	_ =	shalt  }
0x41: {  	_ =	shalt  }
0x42: {  	_ =	shalt  }
0x43: {  	_ =	shalt  }
0x44: {  	_ =	shalt  }
0x45: {  	_ =	shalt  }
0x46: {  	_ =	shalt  }
0x47: {  	_ =	shalt  }
0x48: {  	_ =	shalt  }
0x49: {  	_ =	shalt  }
0x4a: {  	_ =	shalt  }
0x4b: {  	_ =	shalt  }
0x4c: {  	_ =	shalt  }
0x4d: {  	_ =	shalt  }
0x4e: {  	_ =	shalt  }
0x4f: {  	_ =	shalt  }
0x50: {  	_ =	shalt  }
0x51: {  	_ =	shalt  }
0x52: {  	_ =	shalt  }
0x53: {  	_ =	shalt  }
0x54: {  	_ =	shalt  }
0x55: {  	_ =	shalt  }
0x56: {  	_ =	shalt  }
0x57: {  	_ =	shalt  }
0x58: {  	_ =	shalt  }
0x59: {  	_ =	shalt  }
0x5a: {  	_ =	shalt  }
0x5b: {  	_ =	shalt  }
0x5c: {  	_ =	shalt  }
0x5d: {  	_ =	shalt  }
0x5e: {  	_ =	shalt  }
0x5f: {  	_ =	shalt  }
0x60: {  	_ =	shalt  }
0x61: {  	_ =	shalt  }
0x62: {  	_ =	shalt  }
0x63: {  	_ =	shalt  }
0x64: {  	_ =	shalt  }
0x65: {  	_ =	shalt  }
0x66: {  	_ =	shalt  }
0x67: {  	_ =	shalt  }
0x68: {  	_ =	shalt  }
0x69: {  	_ =	shalt  }
0x6a: {  	_ =	shalt  }
0x6b: {  	_ =	shalt  }
0x6c: {  	_ =	shalt  }
0x6d: {  	_ =	shalt  }
0x6e: {  	_ =	shalt  }
0x6f: {  	_ =	shalt  }
0x70: {  	_ =	shalt  }
0x71: {  	_ =	shalt  }
0x72: {  	_ =	shalt  }
0x73: {  	_ =	shalt  }
0x74: {  	_ =	shalt  }
0x75: {  	_ =	shalt  }
0x76: {  	_ =	shalt  }
0x77: {  	_ =	shalt  }
0x78: {  	_ =	shalt  }
0x79: {  	_ =	shalt  }
0x7a: {  	_ =	shalt  }
0x7b: {  	_ =	shalt  }
0x7c: {  	_ =	shalt  }
0x7d: {  	_ =	shalt  }
0x7e: {  	_ =	shalt  }
0x7f: {  	_ =	shalt  }
0x80: {  	_ =	shalt  }
0x81: {  	_ =	shalt  }
0x82: {  	_ =	shalt  }
0x83: {  	_ =	shalt  }
0x84: {  	_ =	shalt  }
0x85: {  	_ =	shalt  }
0x86: {  	_ =	shalt  }
0x87: {  	_ =	shalt  }
.Lfunc_end0:
.L_simem_size_0:
called_computation_lowered:
.L_overlay_start_0:
0x88: {  	s2 =	sld [smem:$0x3FD9]  }
0x89: {  	s3 =	sld [smem:$0x3FFE];
	_ =	sdelay $0x1  }
0x8a: {  	s1 =	srdreg.scid  }
0x8b: {  	s0 =	sand.u32 $0x1, s1  }
0x8c: {  	s17 =	sshll.u32 s0, $0xA;
	s2 =	sadd.s32 s3, s2  }
0x8d: {  	s2 =	sadd.s32 s2, s17  }
0x8e: {  	[smem:$0x3FC1] =	sst s2  }
0x8f: {  	_ = 	snop  }
0x90: {  	s2 =	sld [smem:$0x3FC8]  }
0x91: {  	s18 =	sld [smem:$0x3FD0];
	(tm) =	ssettm $0x1  }
0x92: {  	s4 =	sld [smem:$0x3FFB];
	_ =	sdelay $0x3  }
0x93: {  	_ =	strace s4  }
0x94: {  	s4 =	sld [smem:$0x3FFC];
	_ =	sdelay $0x3  }
0x95: {  	_ =	strace s4  }
0x96: {  	s4 =	sld [smem:$0x3FFD];
	_ =	sdelay $0x3  }
0x97: {  	_ =	strace s4  }
0x98: {  	_ =	strace $0x8FFFFFFF  }
0x99: {  	s19 =	sld [smem:$0x3FDB];
	_ =	sdelay $0x1  }
0x9a: {  	s5 =	simm.s32 $_scs_section_size  }
0x9b: {  	s6 =	simm.s32 $_size__tile_overlayer_lowered;
	s7 =	simm.s32 $_tile_overlayer_lowered  }
0x9c: {  	s22 =	simm.s32 $0x1BFF;
	s21 =	sshll.u32 s7, $0x1;
	s4 =	sadd.s32 s5, s19  }
0x9d: {  	s8 =	simm.s32 $0x0;
	s20 =	sshll.u32 s6, $0x1;
	s6 =	sadd.s32 s21, s4  }
0x9e: {  	[timem:s8], [sflag:s22] =	dma.local [hbm:s6], s20  }
0x9f: {  	_ =	swait.ge [sflag:s22], s20  }
0xa0: {  	s5 =	ssub.s32 $0x0, s20;
	[sflag:s22] =	ssyncset.done $0x0  }
0xa1: {  	[sflag:s22] =	ssyncadd.s32 s5;
	_ =	sdelay $0x1  }
0xa2: {  	s23 =	simm.s32 $0x1B8B  }
0xa3: {  	_ =	swait.ge [sflag:s23], $0x1  }
0xa4: {  	[sflag:s23] =	ssyncset.done $0x0  }
0xa5: {  	s25 =	simm.s32 $0x1B8E;
	s24 =	sld [smem:$0x3FFE];
	[sflag:s23] =	ssyncadd.s32 $0xFFFFFFFF  }
0xa6: {  	s26 =	simm.s32 $execute0_lowered;
	[smem:$0x3FD2] =	sst s25  }
0xa7: {  	s6 =	sshll.u32 s26, $0x1;
	_ =	strace $0x80000046;
	[dreg:$0x1] =	wrdreg $0xFFFFFFFF  }
0xa8: {  	s28 =	simm.s32 $_size_execute0_lowered;
	s4 =	sadd.s32 s4, s6;
	[dreg:$0x0] =	wrdreg $0x0  }
0xa9: {  	s6 =	sshll.u32 s28, $0x1;
	[dreg:$0x2] =	wrdreg s4  }
0xaa: {  	[dreg:$0x3] =	wrdreg s6  }
0xab: {  	[dreg:$0x4] =	wrdreg $0xC0  }
0xac: {  	_ =	task [dreg:s8], $0x5FFFF  }
0xad: {  	[dreg:$0x1] =	wrdreg $0xFFFFFFFF  }
0xae: {  	[dreg:$0x0] =	wrdreg $0x60  }
0xaf: {  	[dreg:$0x2] =	wrdreg s18  }
0xb0: {  	[dreg:$0x3] =	wrdreg s2  }
0xb1: {  	[dreg:$0x4] =	wrdreg s24  }
0xb2: {  	[dreg:$0x5] =	wrdreg $0x9  }
0xb3: {  	_ =	task.clear_ibuf [dreg:s8], $0x6FFFF;
	_ =	strace $0x90000046  }
0xb4: {  	s29 =	simm.s32 $0x9;
	_ =	strace $0x80000048  }
0xb5: {  	_ =	swait.ge [sflag:s29], $0x1  }
0xb6: {  	[sflag:s29] =	ssyncadd.s32 $0xFFFFFFFF  }
0xb7: {  	_ =	strace $0x90000048  }
0xb8: {  	_ =	sfence  }
0xb9: {  	s30 =	sld [smem:$0x0];
	_ =	sdelay $0x2  }
0xba: {  	s31 =	sshll.u32 s1, $0xD;
	s1 =	sshrl.u32 s1, $0x2  }
0xbb: {  	s3 =	sand.u32 $0x4000, s31;
	s1 =	sadd.s32 s1, s30  }
0xbc: {  	s0 =	sor.u32 s3, s0;
	s1 =	sshll.u32 s1, $0x11  }
0xbd: {  	s0 =	sor.u32 s1, s0  }
0xbe: {  	s0 =	sadd.s32 $0x8F2B, s0  }
0xbf: {  	[sflag:s0] =	ssyncadd.remote.s32 $0x1  }
0xc0: {  	_ =	sfence.sel $0xFFFF  }
0xc1: {  	[dreg:$0x0] =	wrdreg $0xFFFFFFFF;
	(pc) =	sbr.abs _section_cstart, $3  }
0xc2: {  	[dreg:$0x1] =	wrdreg $0xFFFFFFFF  }
0xc3: {  	_ =	task.clear_ibuf [dreg:s8], $0x2FFFF;
	_ =	strace $0x9FFFFFFF  }
0xc4: {  	(tm) =	ssettm $0x7FFFFFFF  }
0xc5: {  	_ =	shalt  }
tec
execute0_lowered:
.L_overlay_start_1:
0x0: {  	(tag) =	ssettag $0x1  }
0x1: {  	s1 =	rddreg [dreg:$0x0]  }
0x2: {  	s3 =	rddreg [dreg:$0x1]  }
0x3: {  	s4 =	rddreg [dreg:$0x2];
	s2 =	simm.s32 $0x0  }
0x4: {  	s20 =	simm.s32 $0x1C00;
	[smem:$0x7FF] =	sst s2  }
0x5: {  	s21 =	simm.s32 $0x100;
	_ =	strace $0x80000047;
	[dreg:$0x8] =	wrdreg s20  }
0x6: {  	s22 =	simm.s32 $0x2400;
	[dreg:$0x9] =	wrdreg s21  }
0x7: {  	s23 =	simm.s32 $0x180;
	[dreg:$0xa] =	wrdreg s22  }
0x8: {  	s24 =	simm.s32 $0x2C00;
	[dreg:$0xb] =	wrdreg s23  }
0x9: {  	s28 =	simm.s32 $0x200;
	[dreg:$0xc] =	wrdreg s24  }
0xa: {  	s29 =	simm.s32 $0x3400;
	[dreg:$0xd] =	wrdreg s28  }
0xb: {  	s30 =	simm.s32 $0x280;
	[dreg:$0xe] =	wrdreg s29  }
0xc: {  	s0 =	srdreg.scid;
	s31 =	simm.s32 $0x3C00;
	[dreg:$0xf] =	wrdreg s30  }
0xd: {  	s25 =	sand.u32 $0x1, s0;
	s0 =	simm.s32 $0x300;
	[dreg:$0x10] =	wrdreg s31  }
0xe: {  	s8 =	simm.s32 $0x5400;
	[dreg:$0x11] =	wrdreg s0  }
0xf: {  	s9 =	simm.s32 $0x480;
	[dreg:$0x16] =	wrdreg s8  }
0x10: {  	s10 =	simm.s32 $0x5C00;
	[dreg:$0x17] =	wrdreg s9  }
0x11: {  	s11 =	simm.s32 $0x500;
	[dreg:$0x18] =	wrdreg s10  }
0x12: {  	s12 =	simm.s32 $0x6400;
	[dreg:$0x19] =	wrdreg s11  }
0x13: {  	s13 =	simm.s32 $0x580;
	[dreg:$0x1a] =	wrdreg s12  }
0x14: {  	s14 =	simm.s32 $0x6C00;
	[dreg:$0x1b] =	wrdreg s13  }
0x15: {  	s15 =	simm.s32 $0x600;
	[dreg:$0x1c] =	wrdreg s14  }
0x16: {  	s16 =	simm.s32 $0x7400;
	[dreg:$0x1d] =	wrdreg s15  }
0x17: {  	[dreg:$0x1e] =	wrdreg s16;
	s20 =	simm.s32 $0x8400  }
0x18: {  	s21 =	simm.s32 $0x780;
	[smem:$0x7E7] =	sst s20  }
0x19: {  	s22 =	simm.s32 $0x8C00;
	[smem:$0x7E5] =	sst s21  }
0x1a: {  	s23 =	simm.s32 $0x800;
	[smem:$0x7E4] =	sst s22  }
0x1b: {  	s24 =	simm.s32 $0x9400;
	[smem:$0x7DD] =	sst s23  }
0x1c: {  	s28 =	simm.s32 $0x880;
	[smem:$0x7EA] =	sst s24  }
0x1d: {  	s29 =	simm.s32 $0x9C00;
	[smem:$0x7E1] =	sst s28  }
0x1e: {  	s30 =	simm.s32 $0x900;
	[smem:$0x7DF] =	sst s29  }
0x1f: {  	s31 =	simm.s32 $0xA400;
	[smem:$0x7EB] =	sst s30  }
0x20: {  	s0 =	simm.s32 $0x980;
	[smem:$0x7E9] =	sst s31  }
0x21: {  	s8 =	simm.s32 $0xBC00;
	[smem:$0x7EC] =	sst s0  }
0x22: {  	s9 =	simm.s32 $0xB00;
	[smem:$0x7E2] =	sst s8  }
0x23: {  	s10 =	simm.s32 $0xC400;
	[smem:$0x7F1] =	sst s9  }
0x24: {  	s11 =	simm.s32 $0xB80;
	[smem:$0x7F0] =	sst s10  }
0x25: {  	s12 =	simm.s32 $0xCC00;
	[smem:$0x7F2] =	sst s11  }
0x26: {  	s13 =	simm.s32 $0xC00;
	[smem:$0x7E0] =	sst s12  }
0x27: {  	s26 =	stileid.u32;
	s14 =	simm.s32 $0xD400;
	[smem:$0x7F4] =	sst s13  }
0x28: {  	s5 =	sshll.u32 s26, $0x1;
	s15 =	simm.s32 $0xC80;
	[smem:$0x7F3] =	sst s14  }
0x29: {  	s5 =	sor.u32 s25, s5;
	s16 =	simm.s32 $0xDC00;
	[smem:$0x7F5] =	sst s15  }
0x2a: {  	s7 =	sshll.u32 s25, $0x7;
	[smem:$0x7DE] =	sst s16;
	s20 =	simm.s32 $0xEC00  }
0x2b: {  	s6 =	smul.u32 $0x270, s5;
	s21 =	simm.s32 $0xE00;
	[smem:$0x7F7] =	sst s20  }
0x2c: {  	s5 =	smul.u32 $0x2700, s5;
	s22 =	simm.s32 $0xF400;
	[smem:$0x7FC] =	sst s21  }
0x2d: {  	s7 =	sor.u32 $0x27000, s7;
	s23 =	simm.s32 $0xE80;
	[smem:$0x7FA] =	sst s22  }
0x2e: {  	s28 =	simm.s32 $0xFC00;
	s17 =	sshrl.u32 s7, $0x3;
	[smem:$0x7FD] =	sst s23  }
0x2f: {  	s18 =	sshll.u32 s7, $0x1;
	s7 =	simm.s32 $0x400;
	[smem:$0x7FB] =	sst s28  }
0x30: {  	s4 =	sadd.s32 $0x2200, s4;
	s6 =	sadd.s32 s3, s6;
	[dreg:$0x15] =	wrdreg s7  }
0x31: {  	s5 =	sadd.s32 s4, s5;
	[dreg:$0x4] =	wrdreg s6  }
0x32: {  	s3 =	sadd.s32 s3, s17;
	[dreg:$0x5] =	wrdreg s5  }
0x33: {  	s19 =	sadd.s32 s4, s18;
	[dreg:$0x6] =	wrdreg s3  }
0x34: {  	s4 =	simm.s32 $0x4400;
	[dreg:$0x7] =	wrdreg s19  }
0x35: {  	s17 =	simm.s32 $0x680;
	[dreg:$0x12] =	wrdreg s4  }
0x36: {  	s18 =	simm.s32 $0x7C00;
	[dreg:$0x1f] =	wrdreg s17  }
0x37: {  	s7 =	simm.s32 $0xA80;
	[smem:$0x7E8] =	sst s18  }
0x38: {  	s5 =	simm.s32 $0x380;
	[smem:$0x7EF] =	sst s7  }
0x39: {  	s6 =	simm.s32 $0x4C00;
	[dreg:$0x13] =	wrdreg s5  }
0x3a: {  	s19 =	simm.s32 $0x700;
	[dreg:$0x14] =	wrdreg s6  }
0x3b: {  	s4 =	simm.s32 $0xAC00;
	[smem:$0x7E6] =	sst s19  }
0x3c: {  	s17 =	simm.s32 $0xD00;
	[smem:$0x7E3] =	sst s4  }
0x3d: {  	s18 =	simm.s32 $0xE400;
	[smem:$0x7F8] =	sst s17  }
0x3e: {  	[smem:$0x7F9] =	sst s18  }
0x3f: {  	s5 =	simm.s32 $0xA00;
	s24 =	rddreg [dreg:$0x4]  }
0x40: {  	s6 =	simm.s32 $0xB400;
	[smem:$0x7EE] =	sst s5  }
0x41: {  	s19 =	simm.s32 $0xD80;
	[smem:$0x7ED] =	sst s6  }
0x42: {  	s3 =	simm.s32 $0x2;
	[smem:$0x7F6] =	sst s19  }
0x43: {  	[tilespmem:s2], [sflag:$0x2] =	stream.linear.gather [hbm4b:s24+s2], $0x1380, $0x38;
	[tilespmem:$0x15400] =	vst v63  }
0x44: {  	_ =	swait.ge [sflag:s3], $0x1380  }
0x45: {  	s29 =	rddreg [dreg:$0xd]  }
0x46: {  	s30 =	rddreg [dreg:$0x1c]  }
0x47: {  	s8 =	rddreg [dreg:$0x18]  }
0x48: {  	s9 =	rddreg [dreg:$0xb]  }
0x49: {  	s10 =	rddreg [dreg:$0x14]  }
0x4a: {  	s11 =	rddreg [dreg:$0xe]  }
0x4b: {  	s12 =	rddreg [dreg:$0xc]  }
0x4c: {  	s13 =	rddreg [dreg:$0x10]  }
0x4d: {  	s14 =	rddreg [dreg:$0x9]  }
0x4e: {  	s4 =	simm.s32 $0x1400;
	[sflag:s3] =	ssyncset.done $0x0;
	s15 =	rddreg [dreg:$0x8]  }
0x4f: {  	s5 =	simm.s32 $0x80;
	s16 =	rddreg [dreg:$0xa];
	[sflag:s3] =	ssyncadd.s32 $0xFFFFEC80  }
0x50: {  	[tilespmem:s4], [sflag:$0x1] =	stream.indirect.gather [hbm4b:s1+s5], $0x10, s2, s5, $0xb8;
	[tilespmem:$0x15400] =	vst v63  }
0x51: {  	s17 =	rddreg [dreg:$0xf]  }
0x52: {  	[tilespmem:s15], [sflag:$0x1] =	stream.indirect.gather [hbm4b:s1+s5], $0x10, s5, s5, $0xb8;
	[tilespmem:$0x15400] =	vst v63  }
0x53: {  	s18 =	rddreg [dreg:$0x12]  }
0x54: {  	[tilespmem:s16], [sflag:$0x1] =	stream.indirect.gather [hbm4b:s1+s5], $0x10, s14, s5, $0xb8;
	[tilespmem:$0x15400] =	vst v63  }
0x55: {  	s31 =	rddreg [dreg:$0x11]  }
0x56: {  	[tilespmem:s12], [sflag:$0x1] =	stream.indirect.gather [hbm4b:s1+s5], $0x10, s9, s5, $0xb8;
	[tilespmem:$0x15400] =	vst v63  }
0x57: {  	s0 =	rddreg [dreg:$0x13]  }
0x58: {  	[tilespmem:s11], [sflag:$0x1] =	stream.indirect.gather [hbm4b:s1+s5], $0x10, s29, s5, $0xb8;
	[tilespmem:$0x15400] =	vst v63  }
0x59: {  	s19 =	rddreg [dreg:$0x19]  }
0x5a: {  	[tilespmem:s13], [sflag:$0x1] =	stream.indirect.gather [hbm4b:s1+s5], $0x10, s17, s5, $0xb8;
	[tilespmem:$0x15400] =	vst v63  }
0x5b: {  	s20 =	rddreg [dreg:$0x1b]  }
0x5c: {  	[tilespmem:s18], [sflag:$0x1] =	stream.indirect.gather [hbm4b:s1+s5], $0x10, s31, s5, $0xb8;
	[tilespmem:$0x15400] =	vst v63  }
0x5d: {  	s16 =	rddreg [dreg:$0x15]  }
0x5e: {  	[tilespmem:s10], [sflag:$0x1] =	stream.indirect.gather [hbm4b:s1+s5], $0x10, s0, s5, $0xb8;
	[tilespmem:$0x15400] =	vst v63  }
0x5f: {  	s12 =	rddreg [dreg:$0x16]  }
0x60: {  	[tilespmem:s12], [sflag:$0x1] =	stream.indirect.gather [hbm4b:s1+s5], $0x10, s16, s5, $0xb8;
	[tilespmem:$0x15400] =	vst v63  }
0x61: {  	s17 =	rddreg [dreg:$0x17]  }
0x62: {  	[tilespmem:s8], [sflag:$0x1] =	stream.indirect.gather [hbm4b:s1+s5], $0x10, s17, s5, $0xb8;
	[tilespmem:$0x15400] =	vst v63  }
0x63: {  	s18 =	rddreg [dreg:$0x1a]  }
0x64: {  	[tilespmem:s18], [sflag:$0x1] =	stream.indirect.gather [hbm4b:s1+s5], $0x10, s19, s5, $0xb8;
	[tilespmem:$0x15400] =	vst v63  }
0x65: {  	s21 =	rddreg [dreg:$0x1e]  }
0x66: {  	[tilespmem:s30], [sflag:$0x1] =	stream.indirect.gather [hbm4b:s1+s5], $0x10, s20, s5, $0xb8;
	[tilespmem:$0x15400] =	vst v63  }
0x67: {  	s6 =	simm.s32 $0x1;
	s22 =	rddreg [dreg:$0x1d]  }
0x68: {  	[tilespmem:s21], [sflag:$0x1] =	stream.indirect.gather [hbm4b:s1+s5], $0x10, s22, s5, $0xb8;
	[tilespmem:$0x15400] =	vst v63  }
0x69: {  	_ =	swait.ge [sflag:s6], $0x800  }
0x6a: {  	[sflag:s6] =	ssyncset.done $0x0  }
0x6b: {  	[sflag:s6] =	ssyncadd.s32 $0xFFFFF800  }
0x6c: {  	_ =	swait.ge [sflag:s6], $0x800  }
0x6d: {  	[sflag:s6] =	ssyncset.done $0x0  }
0x6e: {  	[sflag:s6] =	ssyncadd.s32 $0xFFFFF800  }
0x6f: {  	_ =	swait.ge [sflag:s6], $0x800  }
0x70: {  	[sflag:s6] =	ssyncset.done $0x0  }
0x71: {  	[sflag:s6] =	ssyncadd.s32 $0xFFFFF800  }
0x72: {  	_ =	swait.ge [sflag:s6], $0x800  }
0x73: {  	[sflag:s6] =	ssyncset.done $0x0  }
0x74: {  	[sflag:s6] =	ssyncadd.s32 $0xFFFFF800  }
0x75: {  	_ =	swait.ge [sflag:s6], $0x800  }
0x76: {  	[sflag:s6] =	ssyncset.done $0x0  }
0x77: {  	[sflag:s6] =	ssyncadd.s32 $0xFFFFF800  }
0x78: {  	_ =	swait.ge [sflag:s6], $0x800  }
0x79: {  	[sflag:s6] =	ssyncset.done $0x0  }
0x7a: {  	[sflag:s6] =	ssyncadd.s32 $0xFFFFF800  }
0x7b: {  	_ =	swait.ge [sflag:s6], $0x800  }
0x7c: {  	[sflag:s6] =	ssyncset.done $0x0  }
0x7d: {  	[sflag:s6] =	ssyncadd.s32 $0xFFFFF800  }
0x7e: {  	_ =	swait.ge [sflag:s6], $0x800  }
0x7f: {  	[sflag:s6] =	ssyncset.done $0x0  }
0x80: {  	[sflag:s6] =	ssyncadd.s32 $0xFFFFF800  }
0x81: {  	_ =	swait.ge [sflag:s6], $0x800  }
0x82: {  	[sflag:s6] =	ssyncset.done $0x0  }
0x83: {  	[sflag:s6] =	ssyncadd.s32 $0xFFFFF800  }
0x84: {  	_ =	swait.ge [sflag:s6], $0x800  }
0x85: {  	[sflag:s6] =	ssyncset.done $0x0  }
0x86: {  	[sflag:s6] =	ssyncadd.s32 $0xFFFFF800  }
0x87: {  	_ =	swait.ge [sflag:s6], $0x800  }
0x88: {  	[sflag:s6] =	ssyncset.done $0x0  }
0x89: {  	[sflag:s6] =	ssyncadd.s32 $0xFFFFF800  }
0x8a: {  	_ =	swait.ge [sflag:s6], $0x800  }
0x8b: {  	[sflag:s6] =	ssyncset.done $0x0  }
0x8c: {  	[sflag:s6] =	ssyncadd.s32 $0xFFFFF800  }
0x8d: {  	_ =	swait.ge [sflag:s6], $0x800  }
0x8e: {  	s23 =	sld [smem:$0x7DD]  }
0x8f: {  	s8 =	sld [smem:$0x7DE]  }
0x90: {  	s9 =	sld [smem:$0x7DF]  }
0x91: {  	s10 =	sld [smem:$0x7E0]  }
0x92: {  	s11 =	sld [smem:$0x7E1]  }
0x93: {  	s12 =	sld [smem:$0x7E2]  }
0x94: {  	s13 =	sld [smem:$0x7E3]  }
0x95: {  	s24 =	sld [smem:$0x7E4]  }
0x96: {  	s28 =	sld [smem:$0x7E5]  }
0x97: {  	s29 =	sld [smem:$0x7E6]  }
0x98: {  	s30 =	rddreg [dreg:$0x1f]  }
0x99: {  	s31 =	sld [smem:$0x7E7]  }
0x9a: {  	s19 =	sld [smem:$0x7E8]  }
0x9b: {  	[sflag:s6] =	ssyncset.done $0x0;
	s20 =	sld [smem:$0x7E9]  }
0x9c: {  	s21 =	sld [smem:$0x7EA];
	[sflag:s6] =	ssyncadd.s32 $0xFFFFF800  }
0x9d: {  	[tilespmem:s19], [sflag:$0x1] =	stream.indirect.gather [hbm4b:s1+s5], $0x10, s30, s5, $0xb8;
	[tilespmem:$0x15400] =	vst v63  }
0x9e: {  	s0 =	sld [smem:$0x7EB]  }
0x9f: {  	[tilespmem:s31], [sflag:$0x1] =	stream.indirect.gather [hbm4b:s1+s5], $0x10, s29, s5, $0xb8;
	[tilespmem:$0x15400] =	vst v63  }
0xa0: {  	s22 =	sld [smem:$0x7ED]  }
0xa1: {  	[tilespmem:s24], [sflag:$0x1] =	stream.indirect.gather [hbm4b:s1+s5], $0x10, s28, s5, $0xb8;
	[tilespmem:$0x15400] =	vst v63  }
0xa2: {  	s19 =	sld [smem:$0x7EC]  }
0xa3: {  	[tilespmem:s21], [sflag:$0x1] =	stream.indirect.gather [hbm4b:s1+s5], $0x10, s23, s5, $0xb8;
	[tilespmem:$0x15400] =	vst v63  }
0xa4: {  	s30 =	sld [smem:$0x7F2]  }
0xa5: {  	[tilespmem:s9], [sflag:$0x1] =	stream.indirect.gather [hbm4b:s1+s5], $0x10, s11, s5, $0xb8;
	[tilespmem:$0x15400] =	vst v63  }
0xa6: {  	s29 =	sld [smem:$0x7F1]  }
0xa7: {  	[tilespmem:s20], [sflag:$0x1] =	stream.indirect.gather [hbm4b:s1+s5], $0x10, s0, s5, $0xb8;
	[tilespmem:$0x15400] =	vst v63  }
0xa8: {  	s23 =	sld [smem:$0x7EE]  }
0xa9: {  	[tilespmem:s13], [sflag:$0x1] =	stream.indirect.gather [hbm4b:s1+s5], $0x10, s19, s5, $0xb8;
	[tilespmem:$0x15400] =	vst v63  }
0xaa: {  	s24 =	sld [smem:$0x7EF]  }
0xab: {  	[tilespmem:s22], [sflag:$0x1] =	stream.indirect.gather [hbm4b:s1+s5], $0x10, s23, s5, $0xb8;
	[tilespmem:$0x15400] =	vst v63  }
0xac: {  	s28 =	sld [smem:$0x7F0]  }
0xad: {  	[tilespmem:s12], [sflag:$0x1] =	stream.indirect.gather [hbm4b:s1+s5], $0x10, s24, s5, $0xb8;
	[tilespmem:$0x15400] =	vst v63  }
0xae: {  	s31 =	sld [smem:$0x7F3]  }
0xaf: {  	[tilespmem:s28], [sflag:$0x1] =	stream.indirect.gather [hbm4b:s1+s5], $0x10, s29, s5, $0xb8;
	[tilespmem:$0x15400] =	vst v63  }
0xb0: {  	s0 =	sld [smem:$0x7F4]  }
0xb1: {  	[tilespmem:s10], [sflag:$0x1] =	stream.indirect.gather [hbm4b:s1+s5], $0x10, s30, s5, $0xb8;
	[tilespmem:$0x15400] =	vst v63  }
0xb2: {  	s10 =	sld [smem:$0x7F5]  }
0xb3: {  	[tilespmem:s31], [sflag:$0x1] =	stream.indirect.gather [hbm4b:s1+s5], $0x10, s0, s5, $0xb8;
	[tilespmem:$0x15400] =	vst v63  }
0xb4: {  	_ = 	snop  }
0xb5: {  	[tilespmem:s8], [sflag:$0x1] =	stream.indirect.gather [hbm4b:s1+s5], $0x10, s10, s5, $0xb8;
	[tilespmem:$0x15400] =	vst v63  }
0xb6: {  	_ =	swait.ge [sflag:s6], $0x800  }
0xb7: {  	[sflag:s6] =	ssyncset.done $0x0  }
0xb8: {  	[sflag:s6] =	ssyncadd.s32 $0xFFFFF800  }
0xb9: {  	_ =	swait.ge [sflag:s6], $0x800  }
0xba: {  	[sflag:s6] =	ssyncset.done $0x0  }
0xbb: {  	[sflag:s6] =	ssyncadd.s32 $0xFFFFF800  }
0xbc: {  	_ =	swait.ge [sflag:s6], $0x800  }
0xbd: {  	[sflag:s6] =	ssyncset.done $0x0  }
0xbe: {  	[sflag:s6] =	ssyncadd.s32 $0xFFFFF800  }
0xbf: {  	_ =	swait.ge [sflag:s6], $0x800  }
0xc0: {  	[sflag:s6] =	ssyncset.done $0x0  }
0xc1: {  	[sflag:s6] =	ssyncadd.s32 $0xFFFFF800  }
0xc2: {  	_ =	swait.ge [sflag:s6], $0x800  }
0xc3: {  	[sflag:s6] =	ssyncset.done $0x0  }
0xc4: {  	[sflag:s6] =	ssyncadd.s32 $0xFFFFF800  }
0xc5: {  	_ =	swait.ge [sflag:s6], $0x800  }
0xc6: {  	[sflag:s6] =	ssyncset.done $0x0  }
0xc7: {  	[sflag:s6] =	ssyncadd.s32 $0xFFFFF800  }
0xc8: {  	_ =	swait.ge [sflag:s6], $0x800  }
0xc9: {  	[sflag:s6] =	ssyncset.done $0x0  }
0xca: {  	[sflag:s6] =	ssyncadd.s32 $0xFFFFF800  }
0xcb: {  	_ =	swait.ge [sflag:s6], $0x800  }
0xcc: {  	[sflag:s6] =	ssyncset.done $0x0  }
0xcd: {  	[sflag:s6] =	ssyncadd.s32 $0xFFFFF800  }
0xce: {  	_ =	swait.ge [sflag:s6], $0x800  }
0xcf: {  	[sflag:s6] =	ssyncset.done $0x0  }
0xd0: {  	[sflag:s6] =	ssyncadd.s32 $0xFFFFF800  }
0xd1: {  	_ =	swait.ge [sflag:s6], $0x800  }
0xd2: {  	[sflag:s6] =	ssyncset.done $0x0  }
0xd3: {  	[sflag:s6] =	ssyncadd.s32 $0xFFFFF800  }
0xd4: {  	_ =	swait.ge [sflag:s6], $0x800  }
0xd5: {  	[sflag:s6] =	ssyncset.done $0x0  }
0xd6: {  	[sflag:s6] =	ssyncadd.s32 $0xFFFFF800  }
0xd7: {  	_ =	swait.ge [sflag:s6], $0x800  }
0xd8: {  	[sflag:s6] =	ssyncset.done $0x0  }
0xd9: {  	[sflag:s6] =	ssyncadd.s32 $0xFFFFF800  }
0xda: {  	_ =	swait.ge [sflag:s6], $0x800  }
0xdb: {  	s11 =	sld [smem:$0x7F6]  }
0xdc: {  	s12 =	sld [smem:$0x7F7]  }
0xdd: {  	s13 =	sld [smem:$0x7F8]  }
0xde: {  	s14 =	sld [smem:$0x7F9]  }
0xdf: {  	[sflag:s6] =	ssyncset.done $0x0;
	s15 =	sld [smem:$0x7FA]  }
0xe0: {  	s16 =	sld [smem:$0x7FB];
	[sflag:s6] =	ssyncadd.s32 $0xFFFFF800  }
0xe1: {  	[tilespmem:s14], [sflag:$0x1] =	stream.indirect.gather [hbm4b:s1+s5], $0x10, s13, s5, $0xb8;
	[tilespmem:$0x15400] =	vst v63  }
0xe2: {  	s17 =	sld [smem:$0x7FC]  }
0xe3: {  	[tilespmem:s12], [sflag:$0x1] =	stream.indirect.gather [hbm4b:s1+s5], $0x10, s11, s5, $0xb8;
	[tilespmem:$0x15400] =	vst v63  }
0xe4: {  	s18 =	sld [smem:$0x7FD]  }
0xe5: {  	[tilespmem:s15], [sflag:$0x1] =	stream.indirect.gather [hbm4b:s1+s5], $0x10, s17, s5, $0xb8;
	[tilespmem:$0x15400] =	vst v63  }
0xe6: {  	_ = 	snop  }
0xe7: {  	[tilespmem:s16], [sflag:$0x1] =	stream.indirect.gather [hbm4b:s1+s5], $0x10, s18, s5, $0xb8;
	[tilespmem:$0x15400] =	vst v63  }
0xe8: {  	s20 =	simm.s32 $0x10400;
	s19 =	simm.s32 $0xF00  }
0xe9: {  	[tilespmem:s20], [sflag:$0x1] =	stream.indirect.gather [hbm4b:s1+s5], $0x10, s19, s5, $0xb8;
	[tilespmem:$0x15400] =	vst v63  }
0xea: {  	s21 =	simm.s32 $0xF80;
	s22 =	simm.s32 $0x10C00  }
0xeb: {  	[tilespmem:s22], [sflag:$0x1] =	stream.indirect.gather [hbm4b:s1+s5], $0x10, s21, s5, $0xb8;
	[tilespmem:$0x15400] =	vst v63  }
0xec: {  	s23 =	simm.s32 $0x1000;
	s24 =	simm.s32 $0x11400  }
0xed: {  	[tilespmem:s24], [sflag:$0x1] =	stream.indirect.gather [hbm4b:s1+s5], $0x10, s23, s5, $0xb8;
	[tilespmem:$0x15400] =	vst v63  }
0xee: {  	s28 =	simm.s32 $0x1080;
	s29 =	simm.s32 $0x11C00  }
0xef: {  	[tilespmem:s29], [sflag:$0x1] =	stream.indirect.gather [hbm4b:s1+s5], $0x10, s28, s5, $0xb8;
	[tilespmem:$0x15400] =	vst v63  }
0xf0: {  	s30 =	simm.s32 $0x1100;
	s31 =	simm.s32 $0x12400  }
0xf1: {  	[tilespmem:s31], [sflag:$0x1] =	stream.indirect.gather [hbm4b:s1+s5], $0x10, s30, s5, $0xb8;
	[tilespmem:$0x15400] =	vst v63  }
0xf2: {  	s17 =	simm.s32 $0x1180;
	s18 =	simm.s32 $0x12C00  }
0xf3: {  	[tilespmem:s18], [sflag:$0x1] =	stream.indirect.gather [hbm4b:s1+s5], $0x10, s17, s5, $0xb8;
	[tilespmem:$0x15400] =	vst v63  }
0xf4: {  	s19 =	simm.s32 $0x1200;
	s20 =	simm.s32 $0x13400  }
0xf5: {  	[tilespmem:s20], [sflag:$0x1] =	stream.indirect.gather [hbm4b:s1+s5], $0x10, s19, s5, $0xb8;
	[tilespmem:$0x15400] =	vst v63  }
0xf6: {  	s21 =	simm.s32 $0x1280;
	s22 =	simm.s32 $0x13C00  }
0xf7: {  	[tilespmem:s22], [sflag:$0x1] =	stream.indirect.gather [hbm4b:s1+s5], $0x10, s21, s5, $0xb8;
	[tilespmem:$0x15400] =	vst v63  }
0xf8: {  	s23 =	simm.s32 $0x1300;
	s24 =	simm.s32 $0x14400  }
0xf9: {  	[tilespmem:s24], [sflag:$0x1] =	stream.indirect.gather [hbm4b:s1+s5], $0x10, s23, s5, $0xb8;
	[tilespmem:$0x15400] =	vst v63  }
0xfa: {  	_ =	swait.ge [sflag:s6], $0x800  }
0xfb: {  	[sflag:s6] =	ssyncset.done $0x0  }
0xfc: {  	[sflag:s6] =	ssyncadd.s32 $0xFFFFF800  }
0xfd: {  	_ =	swait.ge [sflag:s6], $0x800  }
0xfe: {  	[sflag:s6] =	ssyncset.done $0x0  }
0xff: {  	[sflag:s6] =	ssyncadd.s32 $0xFFFFF800  }
0x100: {  	_ =	swait.ge [sflag:s6], $0x800  }
0x101: {  	[sflag:s6] =	ssyncset.done $0x0  }
0x102: {  	[sflag:s6] =	ssyncadd.s32 $0xFFFFF800  }
0x103: {  	_ =	swait.ge [sflag:s6], $0x800  }
0x104: {  	[sflag:s6] =	ssyncset.done $0x0  }
0x105: {  	[sflag:s6] =	ssyncadd.s32 $0xFFFFF800  }
0x106: {  	_ =	swait.ge [sflag:s6], $0x800  }
0x107: {  	[sflag:s6] =	ssyncset.done $0x0  }
0x108: {  	[sflag:s6] =	ssyncadd.s32 $0xFFFFF800  }
0x109: {  	_ =	swait.ge [sflag:s6], $0x800  }
0x10a: {  	[sflag:s6] =	ssyncset.done $0x0  }
0x10b: {  	[sflag:s6] =	ssyncadd.s32 $0xFFFFF800  }
0x10c: {  	_ =	swait.ge [sflag:s6], $0x800  }
0x10d: {  	[sflag:s6] =	ssyncset.done $0x0  }
0x10e: {  	s25 =	ssub.s32 $0x2, s25;
	[sflag:s6] =	ssyncadd.s32 $0xFFFFF800  }
0x10f: {  	s28 =	sshrl.u32 s25, $0x1;
	_ =	swait.ge [sflag:s6], $0x800  }
0x110: {  	s25 =	ssub.s32 s25, s28;
	[sflag:s6] =	ssyncset.done $0x0  }
0x111: {  	s25 =	smax.u32 s25, $0x1;
	[sflag:s6] =	ssyncadd.s32 $0xFFFFF800  }
0x112: {  	s25 =	sadd.s32 $0xFFFFFFFF, s25;
	_ =	swait.ge [sflag:s6], $0x800  }
0x113: {  	p1 =	sne.s32 s25, $0x0;
	[sflag:s6] =	ssyncset.done $0x0  }
.Ltmp0:
0x114: {  	[sflag:s6] =	ssyncadd.s32 $0xFFFFF800;
	(pc) =	sbr.rel @!p1 .LBB2_2-.Ltmp0, $4  }
0x115: {  	_ =	swait.ge [sflag:s6], $0x800  }
0x116: {  	[sflag:s6] =	ssyncset.done $0x0  }
0x117: {  	[sflag:s6] =	ssyncadd.s32 $0xFFFFF800  }
0x118: {  	p0 =	sne.s32 s26, $0x0;
	_ =	swait.ge [sflag:s6], $0x800  }
.LBB2_1:
0x119: {  	[sflag:s6] =	ssyncset.done $0x0  }
0x11a: {  	[sflag:s6] =	ssyncadd.s32 $0xFFFFF800  }
0x11b: {  	_ =	swait.ge [sflag:s6], $0x800  }
0x11c: {  	[sflag:s6] =	ssyncset.done $0x0  }
0x11d: {  	[sflag:s6] =	ssyncadd.s32 $0xFFFFF800  }
0x11e: {  	_ =	swait.ge [sflag:s6], $0x800  }
0x11f: {  	[sflag:s6] =	ssyncset.done $0x0  }
0x120: {  	s26 =	rddreg [dreg:$0x5];
	[sflag:s6] =	ssyncadd.s32 $0xFFFFF800  }
0x121: {  	[hbm4b:s26+s2] =	stream.linear.scatter [tilespmem:s4], [sflag:$0x2], $0x13800, $0x38;
	[tilespmem:$0x15400] =	vst v63  }
0x122: {  	_ =	swait.ge [sflag:s3], $0x13800  }
0x123: {  	s28 =	simm.s32 @!p0 $0x0;
	s29 =	simm.s32 @!p0 $0x1380;
	[sflag:s3] =	ssyncset.done $0x0  }
0x124: {  	s30 =	simm.s32 @!p0 $0x2;
	s26 =	rddreg [dreg:$0x6];
	[sflag:s3] =	ssyncadd.s32 $0xFFFEC800  }
0x125: {  	[tilespmem:s29], [sflag:$0x2] =	stream.linear.gather @!p0 [hbm4b:s26+s28], $0x80, $0x38;
	[tilespmem:$0x15400] =	vst v63  }
0x126: {  	_ =	swait.ge @!p0 [sflag:s30], $0x80  }
0x127: {  	s31 =	simm.s32 @!p0 $0x14C00;
	[sflag:s30] =	ssyncset.done @!p0 $0x0  }
0x128: {  	s0 =	simm.s32 @!p0 $0x1;
	s26 =	simm.s32 @!p0 $0x80;
	[sflag:s30] =	ssyncadd.s32 @!p0 $0xFFFFFF80  }
0x129: {  	[tilespmem:s31], [sflag:$0x1] =	stream.indirect.gather @!p0 [hbm4b:s1+s26], $0x10, s29, s26, $0xb8;
	[tilespmem:$0x15400] =	vst v63  }
0x12a: {  	_ =	swait.ge @!p0 [sflag:s0], $0x800  }
0x12b: {  	[sflag:s0] =	ssyncset.done @!p0 $0x0  }
0x12c: {  	s26 =	rddreg [dreg:$0x7];
	[sflag:s0] =	ssyncadd.s32 @!p0 $0xFFFFF800  }
0x12d: {  	[hbm4b:s26+s28] =	stream.linear.scatter @!p0 [tilespmem:s31], [sflag:$0x2], $0x800, $0x38;
	[tilespmem:$0x15400] =	vst v63  }
0x12e: {  	_ =	swait.ge @!p0 [sflag:s30], $0x800  }
0x12f: {  	[sflag:s30] =	ssyncset.done @!p0 $0x0  }
0x130: {  	s13 =	rddreg [dreg:$0x4];
	[sflag:s30] =	ssyncadd.s32 @!p0 $0xFFFFF800  }
0x131: {  	[tilespmem:s2], [sflag:$0x2] =	stream.linear.gather [hbm4b:s13+s2], $0x1380, $0x38;
	[tilespmem:$0x15400] =	vst v63  }
0x132: {  	_ =	swait.ge [sflag:s3], $0x1380  }
0x133: {  	s0 =	rddreg [dreg:$0xd]  }
0x134: {  	s26 =	rddreg [dreg:$0x1c]  }
0x135: {  	s28 =	rddreg [dreg:$0x18]  }
0x136: {  	s29 =	rddreg [dreg:$0xb]  }
0x137: {  	s30 =	rddreg [dreg:$0x14]  }
0x138: {  	s14 =	rddreg [dreg:$0xe]  }
0x139: {  	s7 =	rddreg [dreg:$0xc]  }
0x13a: {  	s8 =	rddreg [dreg:$0x10]  }
0x13b: {  	s9 =	rddreg [dreg:$0x9]  }
0x13c: {  	[sflag:s3] =	ssyncset.done $0x0;
	s10 =	rddreg [dreg:$0x8]  }
0x13d: {  	s11 =	rddreg [dreg:$0xa];
	[sflag:s3] =	ssyncadd.s32 $0xFFFFEC80  }
0x13e: {  	[tilespmem:s4], [sflag:$0x1] =	stream.indirect.gather [hbm4b:s1+s5], $0x10, s2, s5, $0xb8;
	[tilespmem:$0x15400] =	vst v63  }
0x13f: {  	s12 =	rddreg [dreg:$0xf]  }
0x140: {  	[tilespmem:s10], [sflag:$0x1] =	stream.indirect.gather [hbm4b:s1+s5], $0x10, s5, s5, $0xb8;
	[tilespmem:$0x15400] =	vst v63  }
0x141: {  	s13 =	rddreg [dreg:$0x12]  }
0x142: {  	[tilespmem:s11], [sflag:$0x1] =	stream.indirect.gather [hbm4b:s1+s5], $0x10, s9, s5, $0xb8;
	[tilespmem:$0x15400] =	vst v63  }
0x143: {  	s15 =	rddreg [dreg:$0x11]  }
0x144: {  	[tilespmem:s7], [sflag:$0x1] =	stream.indirect.gather [hbm4b:s1+s5], $0x10, s29, s5, $0xb8;
	[tilespmem:$0x15400] =	vst v63  }
0x145: {  	s16 =	rddreg [dreg:$0x13]  }
0x146: {  	[tilespmem:s14], [sflag:$0x1] =	stream.indirect.gather [hbm4b:s1+s5], $0x10, s0, s5, $0xb8;
	[tilespmem:$0x15400] =	vst v63  }
0x147: {  	s11 =	rddreg [dreg:$0x15]  }
0x148: {  	[tilespmem:s8], [sflag:$0x1] =	stream.indirect.gather [hbm4b:s1+s5], $0x10, s12, s5, $0xb8;
	[tilespmem:$0x15400] =	vst v63  }
0x149: {  	s29 =	rddreg [dreg:$0x16]  }
0x14a: {  	[tilespmem:s13], [sflag:$0x1] =	stream.indirect.gather [hbm4b:s1+s5], $0x10, s15, s5, $0xb8;
	[tilespmem:$0x15400] =	vst v63  }
0x14b: {  	s14 =	rddreg [dreg:$0x1a]  }
0x14c: {  	[tilespmem:s30], [sflag:$0x1] =	stream.indirect.gather [hbm4b:s1+s5], $0x10, s16, s5, $0xb8;
	[tilespmem:$0x15400] =	vst v63  }
0x14d: {  	s12 =	rddreg [dreg:$0x17]  }
0x14e: {  	[tilespmem:s29], [sflag:$0x1] =	stream.indirect.gather [hbm4b:s1+s5], $0x10, s11, s5, $0xb8;
	[tilespmem:$0x15400] =	vst v63  }
0x14f: {  	s15 =	rddreg [dreg:$0x19]  }
0x150: {  	[tilespmem:s28], [sflag:$0x1] =	stream.indirect.gather [hbm4b:s1+s5], $0x10, s12, s5, $0xb8;
	[tilespmem:$0x15400] =	vst v63  }
0x151: {  	s16 =	rddreg [dreg:$0x1b]  }
0x152: {  	[tilespmem:s14], [sflag:$0x1] =	stream.indirect.gather [hbm4b:s1+s5], $0x10, s15, s5, $0xb8;
	[tilespmem:$0x15400] =	vst v63  }
0x153: {  	s30 =	rddreg [dreg:$0x1d]  }
0x154: {  	[tilespmem:s26], [sflag:$0x1] =	stream.indirect.gather [hbm4b:s1+s5], $0x10, s16, s5, $0xb8;
	[tilespmem:$0x15400] =	vst v63  }
0x155: {  	s29 =	rddreg [dreg:$0x1e]  }
0x156: {  	[tilespmem:s29], [sflag:$0x1] =	stream.indirect.gather [hbm4b:s1+s5], $0x10, s30, s5, $0xb8;
	[tilespmem:$0x15400] =	vst v63  }
0x157: {  	_ =	swait.ge [sflag:s6], $0x800  }
0x158: {  	[sflag:s6] =	ssyncset.done $0x0  }
0x159: {  	[sflag:s6] =	ssyncadd.s32 $0xFFFFF800  }
0x15a: {  	_ =	swait.ge [sflag:s6], $0x800  }
0x15b: {  	[sflag:s6] =	ssyncset.done $0x0  }
0x15c: {  	[sflag:s6] =	ssyncadd.s32 $0xFFFFF800  }
0x15d: {  	_ =	swait.ge [sflag:s6], $0x800  }
0x15e: {  	[sflag:s6] =	ssyncset.done $0x0  }
0x15f: {  	[sflag:s6] =	ssyncadd.s32 $0xFFFFF800  }
0x160: {  	_ =	swait.ge [sflag:s6], $0x800  }
0x161: {  	[sflag:s6] =	ssyncset.done $0x0  }
0x162: {  	[sflag:s6] =	ssyncadd.s32 $0xFFFFF800  }
0x163: {  	_ =	swait.ge [sflag:s6], $0x800  }
0x164: {  	[sflag:s6] =	ssyncset.done $0x0  }
0x165: {  	[sflag:s6] =	ssyncadd.s32 $0xFFFFF800  }
0x166: {  	_ =	swait.ge [sflag:s6], $0x800  }
0x167: {  	[sflag:s6] =	ssyncset.done $0x0  }
0x168: {  	[sflag:s6] =	ssyncadd.s32 $0xFFFFF800  }
0x169: {  	_ =	swait.ge [sflag:s6], $0x800  }
0x16a: {  	[sflag:s6] =	ssyncset.done $0x0  }
0x16b: {  	[sflag:s6] =	ssyncadd.s32 $0xFFFFF800  }
0x16c: {  	_ =	swait.ge [sflag:s6], $0x800  }
0x16d: {  	[sflag:s6] =	ssyncset.done $0x0  }
0x16e: {  	[sflag:s6] =	ssyncadd.s32 $0xFFFFF800  }
0x16f: {  	_ =	swait.ge [sflag:s6], $0x800  }
0x170: {  	[sflag:s6] =	ssyncset.done $0x0  }
0x171: {  	[sflag:s6] =	ssyncadd.s32 $0xFFFFF800  }
0x172: {  	_ =	swait.ge [sflag:s6], $0x800  }
0x173: {  	[sflag:s6] =	ssyncset.done $0x0  }
0x174: {  	[sflag:s6] =	ssyncadd.s32 $0xFFFFF800  }
0x175: {  	_ =	swait.ge [sflag:s6], $0x800  }
0x176: {  	[sflag:s6] =	ssyncset.done $0x0  }
0x177: {  	[sflag:s6] =	ssyncadd.s32 $0xFFFFF800  }
0x178: {  	_ =	swait.ge [sflag:s6], $0x800  }
0x179: {  	[sflag:s6] =	ssyncset.done $0x0  }
0x17a: {  	[sflag:s6] =	ssyncadd.s32 $0xFFFFF800  }
0x17b: {  	_ =	swait.ge [sflag:s6], $0x800  }
0x17c: {  	s0 =	sld [smem:$0x7DD]  }
0x17d: {  	s26 =	sld [smem:$0x7DE]  }
0x17e: {  	s7 =	sld [smem:$0x7DF]  }
0x17f: {  	s28 =	sld [smem:$0x7E0]  }
0x180: {  	s8 =	sld [smem:$0x7E1]  }
0x181: {  	s9 =	sld [smem:$0x7E2]  }
0x182: {  	s10 =	sld [smem:$0x7E3]  }
0x183: {  	s11 =	sld [smem:$0x7E4]  }
0x184: {  	s12 =	sld [smem:$0x7E5]  }
0x185: {  	s13 =	sld [smem:$0x7E6]  }
0x186: {  	s29 =	rddreg [dreg:$0x1f]  }
0x187: {  	s30 =	sld [smem:$0x7E7]  }
0x188: {  	s31 =	sld [smem:$0x7E8]  }
0x189: {  	[sflag:s6] =	ssyncset.done $0x0;
	s14 =	sld [smem:$0x7E9]  }
0x18a: {  	s15 =	sld [smem:$0x7EA];
	[sflag:s6] =	ssyncadd.s32 $0xFFFFF800  }
0x18b: {  	[tilespmem:s31], [sflag:$0x1] =	stream.indirect.gather [hbm4b:s1+s5], $0x10, s29, s5, $0xb8;
	[tilespmem:$0x15400] =	vst v63  }
0x18c: {  	s16 =	sld [smem:$0x7EB]  }
0x18d: {  	[tilespmem:s30], [sflag:$0x1] =	stream.indirect.gather [hbm4b:s1+s5], $0x10, s13, s5, $0xb8;
	[tilespmem:$0x15400] =	vst v63  }
0x18e: {  	s31 =	sld [smem:$0x7EC]  }
0x18f: {  	[tilespmem:s11], [sflag:$0x1] =	stream.indirect.gather [hbm4b:s1+s5], $0x10, s12, s5, $0xb8;
	[tilespmem:$0x15400] =	vst v63  }
0x190: {  	s13 =	sld [smem:$0x7ED]  }
0x191: {  	[tilespmem:s15], [sflag:$0x1] =	stream.indirect.gather [hbm4b:s1+s5], $0x10, s0, s5, $0xb8;
	[tilespmem:$0x15400] =	vst v63  }
0x192: {  	s30 =	sld [smem:$0x7F1]  }
0x193: {  	[tilespmem:s7], [sflag:$0x1] =	stream.indirect.gather [hbm4b:s1+s5], $0x10, s8, s5, $0xb8;
	[tilespmem:$0x15400] =	vst v63  }
0x194: {  	s12 =	sld [smem:$0x7EE]  }
0x195: {  	[tilespmem:s14], [sflag:$0x1] =	stream.indirect.gather [hbm4b:s1+s5], $0x10, s16, s5, $0xb8;
	[tilespmem:$0x15400] =	vst v63  }
0x196: {  	s0 =	sld [smem:$0x7EF]  }
0x197: {  	[tilespmem:s10], [sflag:$0x1] =	stream.indirect.gather [hbm4b:s1+s5], $0x10, s31, s5, $0xb8;
	[tilespmem:$0x15400] =	vst v63  }
0x198: {  	s15 =	sld [smem:$0x7F0]  }
0x199: {  	[tilespmem:s13], [sflag:$0x1] =	stream.indirect.gather [hbm4b:s1+s5], $0x10, s12, s5, $0xb8;
	[tilespmem:$0x15400] =	vst v63  }
0x19a: {  	s31 =	sld [smem:$0x7F2]  }
0x19b: {  	[tilespmem:s9], [sflag:$0x1] =	stream.indirect.gather [hbm4b:s1+s5], $0x10, s0, s5, $0xb8;
	[tilespmem:$0x15400] =	vst v63  }
0x19c: {  	s12 =	sld [smem:$0x7F3]  }
0x19d: {  	[tilespmem:s15], [sflag:$0x1] =	stream.indirect.gather [hbm4b:s1+s5], $0x10, s30, s5, $0xb8;
	[tilespmem:$0x15400] =	vst v63  }
0x19e: {  	s13 =	sld [smem:$0x7F4]  }
0x19f: {  	[tilespmem:s28], [sflag:$0x1] =	stream.indirect.gather [hbm4b:s1+s5], $0x10, s31, s5, $0xb8;
	[tilespmem:$0x15400] =	vst v63  }
0x1a0: {  	s14 =	sld [smem:$0x7F5]  }
0x1a1: {  	[tilespmem:s12], [sflag:$0x1] =	stream.indirect.gather [hbm4b:s1+s5], $0x10, s13, s5, $0xb8;
	[tilespmem:$0x15400] =	vst v63  }
0x1a2: {  	_ = 	snop  }
0x1a3: {  	[tilespmem:s26], [sflag:$0x1] =	stream.indirect.gather [hbm4b:s1+s5], $0x10, s14, s5, $0xb8;
	[tilespmem:$0x15400] =	vst v63  }
0x1a4: {  	_ =	swait.ge [sflag:s6], $0x800  }
0x1a5: {  	[sflag:s6] =	ssyncset.done $0x0  }
0x1a6: {  	[sflag:s6] =	ssyncadd.s32 $0xFFFFF800  }
0x1a7: {  	_ =	swait.ge [sflag:s6], $0x800  }
0x1a8: {  	[sflag:s6] =	ssyncset.done $0x0  }
0x1a9: {  	[sflag:s6] =	ssyncadd.s32 $0xFFFFF800  }
0x1aa: {  	_ =	swait.ge [sflag:s6], $0x800  }
0x1ab: {  	[sflag:s6] =	ssyncset.done $0x0  }
0x1ac: {  	[sflag:s6] =	ssyncadd.s32 $0xFFFFF800  }
0x1ad: {  	_ =	swait.ge [sflag:s6], $0x800  }
0x1ae: {  	[sflag:s6] =	ssyncset.done $0x0  }
0x1af: {  	[sflag:s6] =	ssyncadd.s32 $0xFFFFF800  }
0x1b0: {  	_ =	swait.ge [sflag:s6], $0x800  }
0x1b1: {  	[sflag:s6] =	ssyncset.done $0x0  }
0x1b2: {  	[sflag:s6] =	ssyncadd.s32 $0xFFFFF800  }
0x1b3: {  	_ =	swait.ge [sflag:s6], $0x800  }
0x1b4: {  	[sflag:s6] =	ssyncset.done $0x0  }
0x1b5: {  	[sflag:s6] =	ssyncadd.s32 $0xFFFFF800  }
0x1b6: {  	_ =	swait.ge [sflag:s6], $0x800  }
0x1b7: {  	[sflag:s6] =	ssyncset.done $0x0  }
0x1b8: {  	[sflag:s6] =	ssyncadd.s32 $0xFFFFF800  }
0x1b9: {  	_ =	swait.ge [sflag:s6], $0x800  }
0x1ba: {  	[sflag:s6] =	ssyncset.done $0x0  }
0x1bb: {  	[sflag:s6] =	ssyncadd.s32 $0xFFFFF800  }
0x1bc: {  	_ =	swait.ge [sflag:s6], $0x800  }
0x1bd: {  	[sflag:s6] =	ssyncset.done $0x0  }
0x1be: {  	[sflag:s6] =	ssyncadd.s32 $0xFFFFF800  }
0x1bf: {  	_ =	swait.ge [sflag:s6], $0x800  }
0x1c0: {  	[sflag:s6] =	ssyncset.done $0x0  }
0x1c1: {  	[sflag:s6] =	ssyncadd.s32 $0xFFFFF800  }
0x1c2: {  	_ =	swait.ge [sflag:s6], $0x800  }
0x1c3: {  	[sflag:s6] =	ssyncset.done $0x0  }
0x1c4: {  	[sflag:s6] =	ssyncadd.s32 $0xFFFFF800  }
0x1c5: {  	_ =	swait.ge [sflag:s6], $0x800  }
0x1c6: {  	[sflag:s6] =	ssyncset.done $0x0  }
0x1c7: {  	[sflag:s6] =	ssyncadd.s32 $0xFFFFF800  }
0x1c8: {  	_ =	swait.ge [sflag:s6], $0x800  }
0x1c9: {  	s15 =	sld [smem:$0x7F6]  }
0x1ca: {  	s16 =	sld [smem:$0x7F7]  }
0x1cb: {  	s26 =	sld [smem:$0x7F8]  }
0x1cc: {  	s28 =	sld [smem:$0x7F9]  }
0x1cd: {  	[sflag:s6] =	ssyncset.done $0x0;
	s29 =	sld [smem:$0x7FA]  }
0x1ce: {  	s30 =	sld [smem:$0x7FB];
	[sflag:s6] =	ssyncadd.s32 $0xFFFFF800  }
0x1cf: {  	[tilespmem:s28], [sflag:$0x1] =	stream.indirect.gather [hbm4b:s1+s5], $0x10, s26, s5, $0xb8;
	[tilespmem:$0x15400] =	vst v63  }
0x1d0: {  	s31 =	sld [smem:$0x7FC]  }
0x1d1: {  	[tilespmem:s16], [sflag:$0x1] =	stream.indirect.gather [hbm4b:s1+s5], $0x10, s15, s5, $0xb8;
	[tilespmem:$0x15400] =	vst v63  }
0x1d2: {  	s9 =	sld [smem:$0x7FD]  }
0x1d3: {  	[tilespmem:s29], [sflag:$0x1] =	stream.indirect.gather [hbm4b:s1+s5], $0x10, s31, s5, $0xb8;
	[tilespmem:$0x15400] =	vst v63  }
0x1d4: {  	_ = 	snop  }
0x1d5: {  	[tilespmem:s30], [sflag:$0x1] =	stream.indirect.gather [hbm4b:s1+s5], $0x10, s9, s5, $0xb8;
	[tilespmem:$0x15400] =	vst v63  }
0x1d6: {  	s12 =	simm.s32 $0xF00;
	s13 =	simm.s32 $0x10400  }
0x1d7: {  	[tilespmem:s13], [sflag:$0x1] =	stream.indirect.gather [hbm4b:s1+s5], $0x10, s12, s5, $0xb8;
	[tilespmem:$0x15400] =	vst v63  }
0x1d8: {  	s14 =	simm.s32 $0xF80;
	s15 =	simm.s32 $0x10C00  }
0x1d9: {  	[tilespmem:s15], [sflag:$0x1] =	stream.indirect.gather [hbm4b:s1+s5], $0x10, s14, s5, $0xb8;
	[tilespmem:$0x15400] =	vst v63  }
0x1da: {  	s26 =	simm.s32 $0x11400;
	s16 =	simm.s32 $0x1000  }
0x1db: {  	[tilespmem:s26], [sflag:$0x1] =	stream.indirect.gather [hbm4b:s1+s5], $0x10, s16, s5, $0xb8;
	[tilespmem:$0x15400] =	vst v63  }
0x1dc: {  	s28 =	simm.s32 $0x1080;
	s29 =	simm.s32 $0x11C00  }
0x1dd: {  	[tilespmem:s29], [sflag:$0x1] =	stream.indirect.gather [hbm4b:s1+s5], $0x10, s28, s5, $0xb8;
	[tilespmem:$0x15400] =	vst v63  }
0x1de: {  	s31 =	simm.s32 $0x12400;
	s30 =	simm.s32 $0x1100  }
0x1df: {  	[tilespmem:s31], [sflag:$0x1] =	stream.indirect.gather [hbm4b:s1+s5], $0x10, s30, s5, $0xb8;
	[tilespmem:$0x15400] =	vst v63  }
0x1e0: {  	_ = 	snop  }
0x1e1: {  	[tilespmem:s18], [sflag:$0x1] =	stream.indirect.gather [hbm4b:s1+s5], $0x10, s17, s5, $0xb8;
	[tilespmem:$0x15400] =	vst v63  }
0x1e2: {  	_ = 	snop  }
0x1e3: {  	[tilespmem:s20], [sflag:$0x1] =	stream.indirect.gather [hbm4b:s1+s5], $0x10, s19, s5, $0xb8;
	[tilespmem:$0x15400] =	vst v63  }
0x1e4: {  	_ = 	snop  }
0x1e5: {  	[tilespmem:s22], [sflag:$0x1] =	stream.indirect.gather [hbm4b:s1+s5], $0x10, s21, s5, $0xb8;
	[tilespmem:$0x15400] =	vst v63  }
0x1e6: {  	_ = 	snop  }
0x1e7: {  	[tilespmem:s24], [sflag:$0x1] =	stream.indirect.gather [hbm4b:s1+s5], $0x10, s23, s5, $0xb8;
	[tilespmem:$0x15400] =	vst v63  }
0x1e8: {  	_ =	swait.ge [sflag:s6], $0x800  }
0x1e9: {  	[sflag:s6] =	ssyncset.done $0x0  }
0x1ea: {  	[sflag:s6] =	ssyncadd.s32 $0xFFFFF800  }
0x1eb: {  	_ =	swait.ge [sflag:s6], $0x800  }
0x1ec: {  	[sflag:s6] =	ssyncset.done $0x0  }
0x1ed: {  	[sflag:s6] =	ssyncadd.s32 $0xFFFFF800  }
0x1ee: {  	_ =	swait.ge [sflag:s6], $0x800  }
0x1ef: {  	[sflag:s6] =	ssyncset.done $0x0  }
0x1f0: {  	[sflag:s6] =	ssyncadd.s32 $0xFFFFF800  }
0x1f1: {  	_ =	swait.ge [sflag:s6], $0x800  }
0x1f2: {  	[sflag:s6] =	ssyncset.done $0x0  }
0x1f3: {  	[sflag:s6] =	ssyncadd.s32 $0xFFFFF800  }
0x1f4: {  	_ =	swait.ge [sflag:s6], $0x800  }
0x1f5: {  	[sflag:s6] =	ssyncset.done $0x0  }
0x1f6: {  	[sflag:s6] =	ssyncadd.s32 $0xFFFFF800  }
0x1f7: {  	_ =	swait.ge [sflag:s6], $0x800  }
0x1f8: {  	[sflag:s6] =	ssyncset.done $0x0  }
0x1f9: {  	[sflag:s6] =	ssyncadd.s32 $0xFFFFF800  }
0x1fa: {  	_ =	swait.ge [sflag:s6], $0x800  }
0x1fb: {  	[sflag:s6] =	ssyncset.done $0x0  }
0x1fc: {  	[sflag:s6] =	ssyncadd.s32 $0xFFFFF800  }
0x1fd: {  	_ =	swait.ge [sflag:s6], $0x800  }
0x1fe: {  	[sflag:s6] =	ssyncset.done $0x0  }
0x1ff: {  	[sflag:s6] =	ssyncadd.s32 $0xFFFFF800  }
0x200: {  	s25 =	sadd.s32 $0xFFFFFFFF, s25;
	_ =	swait.ge [sflag:s6], $0x800  }
0x201: {  	p1 =	sne.s32 s25, $0x0;
	[sflag:s6] =	ssyncset.done $0x0  }
.Ltmp1:
0x202: {  	[sflag:s6] =	ssyncadd.s32 $0xFFFFF800;
	(pc) =	sbr.rel @p1 .LBB2_1-.Ltmp1, $4  }
0x203: {  	_ =	swait.ge [sflag:s6], $0x800  }
0x204: {  	[sflag:s6] =	ssyncset.done $0x0  }
0x205: {  	[sflag:s6] =	ssyncadd.s32 $0xFFFFF800  }
0x206: {  	_ =	swait.ge [sflag:s6], $0x800  }
.LBB2_2:
0x207: {  	[sflag:s6] =	ssyncset.done $0x0  }
0x208: {  	[sflag:s6] =	ssyncadd.s32 $0xFFFFF800  }
0x209: {  	_ =	swait.ge [sflag:s6], $0x800  }
0x20a: {  	[sflag:s6] =	ssyncset.done $0x0  }
0x20b: {  	[sflag:s6] =	ssyncadd.s32 $0xFFFFF800  }
0x20c: {  	_ =	swait.ge [sflag:s6], $0x800  }
0x20d: {  	[sflag:s6] =	ssyncset.done $0x0  }
0x20e: {  	s0 =	rddreg [dreg:$0x5];
	[sflag:s6] =	ssyncadd.s32 $0xFFFFF800  }
0x20f: {  	[hbm4b:s0+s2] =	stream.linear.scatter [tilespmem:s4], [sflag:$0x2], $0x13800, $0x38;
	[tilespmem:$0x15400] =	vst v63  }
0x210: {  	_ =	swait.ge [sflag:s3], $0x13800  }
0x211: {  	s2 =	simm.s32 @!p0 $0x0;
	s4 =	simm.s32 @!p0 $0x2;
	[sflag:s3] =	ssyncset.done $0x0  }
0x212: {  	s0 =	rddreg [dreg:$0x6];
	[sflag:s3] =	ssyncadd.s32 $0xFFFEC800;
	s3 =	simm.s32 @!p0 $0x1380  }
0x213: {  	[tilespmem:s3], [sflag:$0x2] =	stream.linear.gather @!p0 [hbm4b:s0+s2], $0x80, $0x38;
	[tilespmem:$0x15400] =	vst v63  }
0x214: {  	_ =	swait.ge @!p0 [sflag:s4], $0x80  }
0x215: {  	s5 =	simm.s32 @!p0 $0x14C00;
	[sflag:s4] =	ssyncset.done @!p0 $0x0  }
0x216: {  	s6 =	simm.s32 @!p0 $0x1;
	s0 =	simm.s32 @!p0 $0x80;
	[sflag:s4] =	ssyncadd.s32 @!p0 $0xFFFFFF80  }
0x217: {  	[tilespmem:s5], [sflag:$0x1] =	stream.indirect.gather @!p0 [hbm4b:s1+s0], $0x10, s3, s0, $0xb8;
	[tilespmem:$0x15400] =	vst v63  }
0x218: {  	_ =	swait.ge @!p0 [sflag:s6], $0x800  }
0x219: {  	[sflag:s6] =	ssyncset.done @!p0 $0x0  }
0x21a: {  	s0 =	rddreg [dreg:$0x7];
	[sflag:s6] =	ssyncadd.s32 @!p0 $0xFFFFF800  }
0x21b: {  	[hbm4b:s0+s2] =	stream.linear.scatter @!p0 [tilespmem:s5], [sflag:$0x2], $0x800, $0x38;
	[tilespmem:$0x15400] =	vst v63  }
0x21c: {  	_ =	swait.ge @!p0 [sflag:s4], $0x800  }
0x21d: {  	[sflag:s4] =	ssyncset.done @!p0 $0x0  }
0x21e: {  	[sflag:s4] =	ssyncadd.s32 @!p0 $0xFFFFF800  }
0x21f: {  	_ =	sfence.sel $0x180000  }
0x220: {  	[bflag:$0x0] =	sbarrier.arrive $0xFFFF  }
0x221: {  	_ =	strace $0x90000047  }
0x222: {  	[bflag:$0x2] =	sbarrier.arrive $0xFFFF  }
0x223: {  	s0 =	rddreg [dreg:$0x3]  }
0x224: {  	s0 =	sadd.s32 @!p0 $0x100000, s0  }
0x225: {  	[sflag:s0] =	ssyncadd.tile.s32 @!p0 $0x1;
	_ =	shalt  }
.Lfunc_end2:
_tile_overlayer_lowered:
.L_overlay_start_2:
0x226: {  	(tag) =	ssettag $0x2  }
0x227: {  	s0 =	rddreg [dreg:$0x0];
	s2 =	stileid.u32  }
0x228: {  	s1 =	rddreg [dreg:$0x1];
	p0 =	sne.s32 s2, $0x0  }
0x229: {  	s3 =	rddreg [dreg:$0x2];
	[bflag:$0x3] =	sbarrier.arrive $0xFFFF;
	s2 =	simm.s32 @!p0 $0x1C02  }
0x22a: {  	[timem:s3], [sflag:s2] =	dma.local @!p0 [hbm:s0], s1  }
0x22b: {  	s0 =	simm.s32 @!p0 $0x2  }
0x22c: {  	_ =	swait.ge @!p0 [sflag:s0], s1  }
0x22d: {  	s1 =	ssub.s32 @!p0 $0x0, s1;
	[sflag:s0] =	ssyncset.done @!p0 $0x0  }
0x22e: {  	[sflag:s0] =	ssyncadd.s32 @!p0 s1  }
0x22f: {  	[bflag:$0x3] =	sbarrier.arrive $0xFFFF  }
0x230: {  	_ =	shalt  }

// kernel: kernel.8.cloned.1.call-start
scs
__scs_entry_jumppad:
0x0: {  	(pc) =	sbr.rel $0x88, $3  }
0x1: {  	(tag) =	ssettag $0x0;
	lr =	simm.s32 $0x1  }
0x2: {  	[smem:$0x3F9A] =	sst lr;
	_ =	strace $0xD0000000  }
0x3: {  	_ = 	snop  }
0x4: {  	_ = 	snop  }
0x5: {  	_ = 	snop  }
0x6: {  	_ = 	snop  }
0x7: {  	_ = 	snop  }
__scs_overlays_trampoline_lowered:
0x8: {  	[smem:$0x3FA9] =	sst s0  }
0x9: {  	[smem:$0x3FAA] =	sst s1  }
0xa: {  	[smem:$0x3FAB] =	sst s2  }
0xb: {  	[smem:$0x3FAC] =	sst s3  }
0xc: {  	[smem:$0x3FAD] =	sst s4  }
0xd: {  	[smem:$0x3FAE] =	sst s5  }
0xe: {  	[smem:$0x3FAF] =	sst s6  }
0xf: {  	[smem:$0x3FB0] =	sst s7  }
0x10: {  	[smem:$0x3FB1] =	sst s8  }
0x11: {  	[smem:$0x3FB2] =	sst s9;
	s0 =	simm.s32 @!p0 $0x0  }
0x12: {  	s1 =	sld [smem:$0x3F98];
	s0 =	simm.s32 @p0 $0x1  }
0x13: {  	[smem:$0x3FB3] =	sst s0;
	s0 =	simm.s32 @!p1 $0x0  }
0x14: {  	s2 =	sld [smem:$0x3F97];
	s0 =	simm.s32 @p1 $0x1  }
0x15: {  	[smem:$0x3FB4] =	sst s0;
	s0 =	simm.s32 @!p2 $0x0  }
0x16: {  	s3 =	sld [smem:$0x3FDB];
	s0 =	simm.s32 @p2 $0x1  }
0x17: {  	s4 =	simm.s32 $0x1BF5;
	[smem:$0x3FB6] =	sst s0  }
0x18: {  	s0 =	sld [smem:$0x3F99];
	_ =	swait.ge [sflag:s4], $0x0  }
0x19: {  	s7 =	sld [smem:$0x3F9A]  }
0x1a: {  	s8 =	sadd.s32 $0xFFFFE003, lr  }
0x1b: {  	s9 =	sadd.s32 $0xFFFFFEF7, lr;
	s5 =	simm.s32 $0xFFFFFFFF;
	p2 =	slt.u32 s8, $0xFFFFF086  }
0x1c: {  	p1 =	slt.u32 s9, $0xF7A;
	s5 =	simm.s32 @!p2 $0x0  }
0x1d: {  	s5 =	simm.s32 @p1 $0x1;
	p0 =	seq.s32 s7, s2  }
0x1e: {  	s7 =	smul.u32 @!p0 $0xF7A, s2;
	p2 =	seq.s32 @!p0 s5, $0x0  }
0x1f: {  	s9 =	smul.u32 $0xF7A, s1;
	s8 =	simm.s32 @!p0 $0x1BF5;
	p2 =	por !p2, p0  }
0x20: {  	[sflag:s8] =	ssyncset.s32 @!p0 $0xFFFFF086;
	s6 =	sadd.s32 @!p0 s3, s7;
	s7 =	simm.s32 @!p0 $0x108  }
0x21: {  	s3 =	sadd.s32 s3, s9;
	s6 =	sadd.s32 @!p0 $0x88, s6;
	s7 =	simm.s32 @p2 $0x1082  }
0x22: {  	[simem:s7], [sflag:s8] =	dma.local @!p0 [hbm:s6], $0xF7A  }
0x23: {  	s9 =	sor.u32 $0xD0000000, s2;
	s6 =	simm.s32 $0x108;
	_ =	swait.ge @!p0 [sflag:s8], $0x0  }
0x24: {  	s3 =	sadd.s32 $0x88, s3;
	s6 =	simm.s32 @!p1 $0x1082;
	[sflag:s4] =	ssyncset.s32 $0xFFFFF086  }
0x25: {  	[simem:s6], [sflag:s4] =	dma.local [hbm:s3], $0xF7A  }
0x26: {  	[smem:$0x3F9A] =	sst s1;
	(tag) =	ssettag s2;
	_ =	strace s9  }
0x27: {  	s1 =	sld [smem:$0x3FAA]  }
0x28: {  	s2 =	sld [smem:$0x3FAB]  }
0x29: {  	s4 =	sld [smem:$0x3FAD]  }
0x2a: {  	p0 =	seq.s32 s5, $0x0;
	s5 =	sld [smem:$0x3FAE]  }
0x2b: {  	s6 =	sld [smem:$0x3FAF]  }
0x2c: {  	s7 =	sld [smem:$0x3FB0]  }
0x2d: {  	s3 =	simm.s32 $0x108;
	s8 =	sld [smem:$0x3FB1]  }
0x2e: {  	s3 =	simm.s32 @!p0 $0x1082;
	s9 =	sld [smem:$0x3FB2]  }
0x2f: {  	lr =	sadd.s32 s0, s3;
	s0 =	sld [smem:$0x3FA9]  }
0x30: {  	s3 =	sld [smem:$0x3FAC]  }
0x31: {  	[smem:$0x3FB5] =	sst s10  }
0x32: {  	s10 =	sld [smem:$0x3FB3];
	_ =	sdelay $0x3  }
0x33: {  	p0 =	seq.s32 s10, $0x1;
	s10 =	sld [smem:$0x3FB5];
	_ =	sdelay $0x3  }
0x34: {  	[smem:$0x3FB5] =	sst s10  }
0x35: {  	s10 =	sld [smem:$0x3FB4];
	_ =	sdelay $0x3  }
0x36: {  	p1 =	seq.s32 s10, $0x1;
	s10 =	sld [smem:$0x3FB5];
	_ =	sdelay $0x3  }
0x37: {  	[smem:$0x3FB5] =	sst s10  }
0x38: {  	s10 =	sld [smem:$0x3FB6]  }
0x39: {  	_ = 	snop;
	(pc) =	sbr.ind lr, $3  }
0x3a: {  	_ = 	snop  }
0x3b: {  	_ = 	snop  }
0x3c: {  	p2 =	seq.s32 s10, $0x1;
	s10 =	sld [smem:$0x3FB5]  }
0x3d: {  	_ =	shalt  }
0x3e: {  	_ =	shalt  }
0x3f: {  	_ =	shalt  }
0x40: {  	_ =	shalt  }
0x41: {  	_ =	shalt  }
0x42: {  	_ =	shalt  }
0x43: {  	_ =	shalt  }
0x44: {  	_ =	shalt  }
0x45: {  	_ =	shalt  }
0x46: {  	_ =	shalt  }
0x47: {  	_ =	shalt  }
0x48: {  	_ =	shalt  }
0x49: {  	_ =	shalt  }
0x4a: {  	_ =	shalt  }
0x4b: {  	_ =	shalt  }
0x4c: {  	_ =	shalt  }
0x4d: {  	_ =	shalt  }
0x4e: {  	_ =	shalt  }
0x4f: {  	_ =	shalt  }
0x50: {  	_ =	shalt  }
0x51: {  	_ =	shalt  }
0x52: {  	_ =	shalt  }
0x53: {  	_ =	shalt  }
0x54: {  	_ =	shalt  }
0x55: {  	_ =	shalt  }
0x56: {  	_ =	shalt  }
0x57: {  	_ =	shalt  }
0x58: {  	_ =	shalt  }
0x59: {  	_ =	shalt  }
0x5a: {  	_ =	shalt  }
0x5b: {  	_ =	shalt  }
0x5c: {  	_ =	shalt  }
0x5d: {  	_ =	shalt  }
0x5e: {  	_ =	shalt  }
0x5f: {  	_ =	shalt  }
0x60: {  	_ =	shalt  }
0x61: {  	_ =	shalt  }
0x62: {  	_ =	shalt  }
0x63: {  	_ =	shalt  }
0x64: {  	_ =	shalt  }
0x65: {  	_ =	shalt  }
0x66: {  	_ =	shalt  }
0x67: {  	_ =	shalt  }
0x68: {  	_ =	shalt  }
0x69: {  	_ =	shalt  }
0x6a: {  	_ =	shalt  }
0x6b: {  	_ =	shalt  }
0x6c: {  	_ =	shalt  }
0x6d: {  	_ =	shalt  }
0x6e: {  	_ =	shalt  }
0x6f: {  	_ =	shalt  }
0x70: {  	_ =	shalt  }
0x71: {  	_ =	shalt  }
0x72: {  	_ =	shalt  }
0x73: {  	_ =	shalt  }
0x74: {  	_ =	shalt  }
0x75: {  	_ =	shalt  }
0x76: {  	_ =	shalt  }
0x77: {  	_ =	shalt  }
0x78: {  	_ =	shalt  }
0x79: {  	_ =	shalt  }
0x7a: {  	_ =	shalt  }
0x7b: {  	_ =	shalt  }
0x7c: {  	_ =	shalt  }
0x7d: {  	_ =	shalt  }
0x7e: {  	_ =	shalt  }
0x7f: {  	_ =	shalt  }
0x80: {  	_ =	shalt  }
0x81: {  	_ =	shalt  }
0x82: {  	_ =	shalt  }
0x83: {  	_ =	shalt  }
0x84: {  	_ =	shalt  }
0x85: {  	_ =	shalt  }
0x86: {  	_ =	shalt  }
0x87: {  	_ =	shalt  }
.Lfunc_end0:
.L_simem_size_0:
called_computation.1_lowered:
.L_overlay_start_0:
0x88: {  	s2 =	sld [smem:$0x3FD9]  }
0x89: {  	s3 =	sld [smem:$0x3FFE];
	_ =	sdelay $0x1  }
0x8a: {  	s1 =	srdreg.scid  }
0x8b: {  	s0 =	sand.u32 $0x1, s1  }
0x8c: {  	s17 =	sshll.u32 s0, $0xA;
	s2 =	sadd.s32 s3, s2  }
0x8d: {  	s2 =	sadd.s32 s2, s17  }
0x8e: {  	[smem:$0x3FC1] =	sst s2  }
0x8f: {  	_ = 	snop  }
0x90: {  	s2 =	sld [smem:$0x3FC7]  }
0x91: {  	s18 =	sld [smem:$0x3FD0];
	(tm) =	ssettm $0x1  }
0x92: {  	s4 =	sld [smem:$0x3FFB];
	_ =	sdelay $0x3  }
0x93: {  	_ =	strace s4  }
0x94: {  	s4 =	sld [smem:$0x3FFC];
	_ =	sdelay $0x3  }
0x95: {  	_ =	strace s4  }
0x96: {  	s4 =	sld [smem:$0x3FFD];
	_ =	sdelay $0x3  }
0x97: {  	_ =	strace s4  }
0x98: {  	_ =	strace $0x8FFFFFFF  }
0x99: {  	s19 =	sld [smem:$0x3FDB];
	_ =	sdelay $0x1  }
0x9a: {  	s5 =	simm.s32 $_scs_section_size  }
0x9b: {  	s6 =	simm.s32 $_size__tile_overlayer_lowered;
	s7 =	simm.s32 $_tile_overlayer_lowered  }
0x9c: {  	s22 =	simm.s32 $0x1BFF;
	s21 =	sshll.u32 s7, $0x1;
	s4 =	sadd.s32 s5, s19  }
0x9d: {  	s8 =	simm.s32 $0x0;
	s20 =	sshll.u32 s6, $0x1;
	s6 =	sadd.s32 s21, s4  }
0x9e: {  	[timem:s8], [sflag:s22] =	dma.local [hbm:s6], s20  }
0x9f: {  	_ =	swait.ge [sflag:s22], s20  }
0xa0: {  	s5 =	ssub.s32 $0x0, s20;
	[sflag:s22] =	ssyncset.done $0x0  }
0xa1: {  	[sflag:s22] =	ssyncadd.s32 s5;
	_ =	sdelay $0x1  }
0xa2: {  	s23 =	simm.s32 $0x1B8B  }
0xa3: {  	_ =	swait.ge [sflag:s23], $0x1  }
0xa4: {  	[sflag:s23] =	ssyncset.done $0x0  }
0xa5: {  	s25 =	simm.s32 $0x1B8E;
	s24 =	sld [smem:$0x3FFE];
	[sflag:s23] =	ssyncadd.s32 $0xFFFFFFFF  }
0xa6: {  	s26 =	simm.s32 $execute0_lowered;
	[smem:$0x3FD2] =	sst s25  }
0xa7: {  	s6 =	sshll.u32 s26, $0x1;
	_ =	strace $0x80000049;
	[dreg:$0x1] =	wrdreg $0xFFFFFFFF  }
0xa8: {  	s28 =	simm.s32 $_size_execute0_lowered;
	s4 =	sadd.s32 s4, s6;
	[dreg:$0x0] =	wrdreg $0x0  }
0xa9: {  	s6 =	sshll.u32 s28, $0x1;
	[dreg:$0x2] =	wrdreg s4  }
0xaa: {  	[dreg:$0x3] =	wrdreg s6  }
0xab: {  	[dreg:$0x4] =	wrdreg $0xC0  }
0xac: {  	_ =	task [dreg:s8], $0x5FFFF  }
0xad: {  	[dreg:$0x1] =	wrdreg $0xFFFFFFFF  }
0xae: {  	[dreg:$0x0] =	wrdreg $0x60  }
0xaf: {  	[dreg:$0x2] =	wrdreg s24  }
0xb0: {  	[dreg:$0x3] =	wrdreg s2  }
0xb1: {  	[dreg:$0x4] =	wrdreg s18  }
0xb2: {  	[dreg:$0x5] =	wrdreg $0xB1200  }
0xb3: {  	[dreg:$0x6] =	wrdreg $0x9  }
0xb4: {  	_ =	task.clear_ibuf [dreg:s8], $0x7FFFF;
	_ =	strace $0x90000049  }
0xb5: {  	s29 =	simm.s32 $0x9;
	_ =	strace $0x8000004B  }
0xb6: {  	_ =	swait.ge [sflag:s29], $0x1  }
0xb7: {  	[sflag:s29] =	ssyncadd.s32 $0xFFFFFFFF  }
0xb8: {  	_ =	strace $0x9000004B  }
0xb9: {  	_ =	sfence  }
0xba: {  	s30 =	sld [smem:$0x0];
	_ =	sdelay $0x2  }
0xbb: {  	s31 =	sshll.u32 s1, $0xD;
	s1 =	sshrl.u32 s1, $0x2  }
0xbc: {  	s3 =	sand.u32 $0x4000, s31;
	s1 =	sadd.s32 s1, s30  }
0xbd: {  	s0 =	sor.u32 s3, s0;
	s1 =	sshll.u32 s1, $0x11  }
0xbe: {  	s0 =	sor.u32 s1, s0  }
0xbf: {  	s0 =	sadd.s32 $0x8F2B, s0  }
0xc0: {  	[sflag:s0] =	ssyncadd.remote.s32 $0x1  }
0xc1: {  	_ =	sfence.sel $0xFFFF  }
0xc2: {  	[dreg:$0x0] =	wrdreg $0xFFFFFFFF;
	(pc) =	sbr.abs _section_cstart, $3  }
0xc3: {  	[dreg:$0x1] =	wrdreg $0xFFFFFFFF  }
0xc4: {  	_ =	task.clear_ibuf [dreg:s8], $0x2FFFF;
	_ =	strace $0x9FFFFFFF  }
0xc5: {  	(tm) =	ssettm $0x7FFFFFFF  }
tec
execute0_lowered:
.L_overlay_start_1:
0x0: {  	(tag) =	ssettag $0x1  }
0x1: {  	s4 =	rddreg [dreg:$0x0]  }
0x2: {  	s9 =	rddreg [dreg:$0x1]  }
0x3: {  	s7 =	rddreg [dreg:$0x2]  }
0x4: {  	s1 =	rddreg [dreg:$0x3];
	s3 =	srdreg.scid;
	s2 =	simm.s32 $0x0  }
0x5: {  	s17 =	simm.s32 $0x1300;
	s18 =	simm.s32 $0x100;
	s19 =	simm.s32 $0x2300  }
0x6: {  	s20 =	simm.s32 $0x180;
	s21 =	simm.s32 $0x3300;
	s22 =	simm.s32 $0x200  }
0x7: {  	s23 =	simm.s32 $0x4300;
	s24 =	simm.s32 $0x280;
	s25 =	simm.s32 $0x5300  }
0x8: {  	s26 =	simm.s32 $0x0;
	s5 =	sand.u32 $0x1, s3;
	s3 =	stileid.u32  }
0x9: {  	[smem:$0x7FF] =	sst s2;
	s10 =	sadd.s32 $0x2200, s4;
	s29 =	smul.u32 $0x4E20, s3  }
0xa: {  	s6 =	ssub.s32 $0x2, s5;
	s11 =	sshll.u32 s5, $0x2;
	s5 =	smul.u32 $0x4E200, s5  }
0xb: {  	_ =	strace $0x8000004A;
	s12 =	sshll.u32 s3, $0x7;
	s15 =	smul.u32 $0x4E0, s3  }
0xc: {  	s16 =	smul.u32 $0x13800, s3;
	p0 =	sgt.u32 s3, $0x1;
	s8 =	sshrl.u32 s6, $0x1  }
0xd: {  	s13 =	sadd.s32 s10, s11;
	s12 =	sor.u32 $0x27000, s12;
	s8 =	ssub.s32 s6, s8  }
0xe: {  	s4 =	sadd.s32 s29, s1;
	s14 =	sshrl.u32 s12, $0x3;
	s5 =	sadd.s32 s29, s5  }
0xf: {  	s30 =	sshll.u32 s12, $0x3;
	s10 =	sadd.s32 s16, s10;
	s12 =	simm.s32 $0x1  }
0x10: {  	s16 =	simm.s32 $0x80;
	s31 =	sshrl.u32 s5, $0x3;
	s5 =	sadd.s32 s9, s14  }
0x11: {  	s6 =	sadd.s32 s30, s13;
	s8 =	smax.u32 s8, $0x1;
	s9 =	sadd.s32 s15, s9  }
0x12: {  	s10 =	sadd.s32 s11, s10;
	s11 =	simm.s32 $0x6300;
	s13 =	simm.s32 $0x20  }
0x13: {  	v0 =	vimm.f32 $0.0e+00;
	s14 =	simm.s32 $0x40;
	s15 =	simm.s32 $0x300;
	s7 =	sadd.s32 s7, s31  }
.LBB2_1:
0x14: {  	s28 =	simm.s32 $0x80;
	s29 =	simm.s32 $0x0  }
.LBB2_2:
0x15: {  	p1 =	sne.s32 s28, $0x13800;
	[tilespmem:s29+$0x6300] =	vst v0;
	s30 =	smov.u32 s28;
	s28 =	sadd.s32 $0x80, s28  }
.Ltmp0:
0x16: {  	[tilespmem:s29+$0x6310] =	vst v0;
	(pc) =	sbr.rel @p1 .LBB2_2-.Ltmp0, $2  }
0x17: {  	_ =	sdelay $0x2  }
0x18: {  	s29 =	sshra.s32 s30, $0x2  }
0x19: {  	[tilespmem:s29+$0x6300] =	vst v0  }
0x1a: {  	[tilespmem:s29+$0x6310] =	vst v0  }
0x1b: {  	[spmem:s4] =	stream.linear.scatter [tilespmem:s11], [sflag:$0x1], $0x4E20, $0x38;
	[tilespmem:$0xFF40] =	vst v63  }
0x1c: {  	_ =	swait.ge [sflag:s12], $0x4E20  }
0x1d: {  	[sflag:s12] =	ssyncset.done $0x0  }
0x1e: {  	[sflag:s12] =	ssyncadd.s32 $0xFFFFB1E0  }
0x1f: {  	s28 =	sadd.s32 $0x0, s9;
	[bflag:$0x0] =	sbarrier.arrive $0xFFFF  }
0x20: {  	[tilespmem:s2], [sflag:$0x1] =	stream.linear.gather [hbm4b:s28+s2], $0x300, $0x38;
	[tilespmem:$0xFF40] =	vst v63  }
0x21: {  	_ =	swait.ge [sflag:s12], $0x300  }
0x22: {  	[sflag:s12] =	ssyncset.done $0x0  }
0x23: {  	[sflag:s12] =	ssyncadd.s32 $0xFFFFFD00  }
0x24: {  	[tilespmem:s15], [sflag:$0x1] =	stream.strided.gather [hbm4b:s10+s13], $0x6000, s14, s13, $0x38;
	[tilespmem:$0xFF40] =	vst v63  }
0x25: {  	_ =	swait.ge [sflag:s12], $0x6000  }
0x26: {  	[sflag:s12] =	ssyncset.done $0x0  }
0x27: {  	[sflag:s12] =	ssyncadd.s32 $0xFFFFA000  }
0x28: {  	[spmem:s1] =	stream.indirect.scatter.add.f32 [tilespmem:s15], [sflag:$0x1], $0x20, s2, s16, $0xb8;
	[tilespmem:$0xFF40] =	vst v63  }
0x29: {  	_ =	swait.ge [sflag:s12], $0x1000  }
0x2a: {  	[sflag:s12] =	ssyncset.done $0x0  }
0x2b: {  	[sflag:s12] =	ssyncadd.s32 $0xFFFFF000  }
0x2c: {  	[spmem:s1] =	stream.indirect.scatter.add.f32 [tilespmem:s17], [sflag:$0x1], $0x20, s16, s16, $0xb8;
	[tilespmem:$0xFF40] =	vst v63  }
0x2d: {  	_ =	swait.ge [sflag:s12], $0x1000  }
0x2e: {  	[sflag:s12] =	ssyncset.done $0x0  }
0x2f: {  	[sflag:s12] =	ssyncadd.s32 $0xFFFFF000  }
0x30: {  	[spmem:s1] =	stream.indirect.scatter.add.f32 [tilespmem:s19], [sflag:$0x1], $0x20, s18, s16, $0xb8;
	[tilespmem:$0xFF40] =	vst v63  }
0x31: {  	_ =	swait.ge [sflag:s12], $0x1000  }
0x32: {  	[sflag:s12] =	ssyncset.done $0x0  }
0x33: {  	[sflag:s12] =	ssyncadd.s32 $0xFFFFF000  }
0x34: {  	[spmem:s1] =	stream.indirect.scatter.add.f32 [tilespmem:s21], [sflag:$0x1], $0x20, s20, s16, $0xb8;
	[tilespmem:$0xFF40] =	vst v63  }
0x35: {  	_ =	swait.ge [sflag:s12], $0x1000  }
0x36: {  	[sflag:s12] =	ssyncset.done $0x0  }
0x37: {  	[sflag:s12] =	ssyncadd.s32 $0xFFFFF000  }
0x38: {  	[spmem:s1] =	stream.indirect.scatter.add.f32 [tilespmem:s23], [sflag:$0x1], $0x20, s22, s16, $0xb8;
	[tilespmem:$0xFF40] =	vst v63  }
0x39: {  	_ =	swait.ge [sflag:s12], $0x1000  }
0x3a: {  	[sflag:s12] =	ssyncset.done $0x0  }
0x3b: {  	[sflag:s12] =	ssyncadd.s32 $0xFFFFF000  }
0x3c: {  	[spmem:s1] =	stream.indirect.scatter.add.f32 [tilespmem:s25], [sflag:$0x1], $0x20, s24, s16, $0xb8;
	[tilespmem:$0xFF40] =	vst v63  }
0x3d: {  	s29 =	simm.s32 $0x60;
	_ =	swait.ge [sflag:s12], $0x1000  }
0x3e: {  	s31 =	simm.s32 $0xC0;
	s28 =	sadd.s32 $0x1800, s10;
	[sflag:s12] =	ssyncset.done $0x0  }
.LBB2_4:
0x3f: {  	s0 =	sadd.s32 s29, s9  }
0x40: {  	[sflag:s12] =	ssyncadd.s32 $0xFFFFF000;
	s29 =	smov.u32 s31;
	s30 =	sadd.s32 $0x60, s31  }
0x41: {  	[tilespmem:s2], [sflag:$0x1] =	stream.linear.gather [hbm4b:s0+s2], $0x300, $0x38;
	[tilespmem:$0xFF40] =	vst v63  }
0x42: {  	p1 =	sne.s32 s31, $0x480;
	_ =	swait.ge [sflag:s12], $0x300  }
0x43: {  	[sflag:s12] =	ssyncset.done $0x0  }
0x44: {  	[sflag:s12] =	ssyncadd.s32 $0xFFFFFD00  }
0x45: {  	[tilespmem:s15], [sflag:$0x1] =	stream.strided.gather [hbm4b:s28+s13], $0x6000, s14, s13, $0x38;
	[tilespmem:$0xFF40] =	vst v63  }
0x46: {  	_ =	swait.ge [sflag:s12], $0x6000  }
0x47: {  	[sflag:s12] =	ssyncset.done $0x0  }
0x48: {  	[sflag:s12] =	ssyncadd.s32 $0xFFFFA000  }
0x49: {  	[spmem:s1] =	stream.indirect.scatter.add.f32 [tilespmem:s15], [sflag:$0x1], $0x20, s2, s16, $0xb8;
	[tilespmem:$0xFF40] =	vst v63  }
0x4a: {  	_ =	swait.ge [sflag:s12], $0x1000  }
0x4b: {  	[sflag:s12] =	ssyncset.done $0x0  }
0x4c: {  	[sflag:s12] =	ssyncadd.s32 $0xFFFFF000  }
0x4d: {  	[spmem:s1] =	stream.indirect.scatter.add.f32 [tilespmem:s17], [sflag:$0x1], $0x20, s16, s16, $0xb8;
	[tilespmem:$0xFF40] =	vst v63  }
0x4e: {  	_ =	swait.ge [sflag:s12], $0x1000  }
0x4f: {  	[sflag:s12] =	ssyncset.done $0x0  }
0x50: {  	[sflag:s12] =	ssyncadd.s32 $0xFFFFF000  }
0x51: {  	[spmem:s1] =	stream.indirect.scatter.add.f32 [tilespmem:s19], [sflag:$0x1], $0x20, s18, s16, $0xb8;
	[tilespmem:$0xFF40] =	vst v63  }
0x52: {  	_ =	swait.ge [sflag:s12], $0x1000  }
0x53: {  	[sflag:s12] =	ssyncset.done $0x0  }
0x54: {  	[sflag:s12] =	ssyncadd.s32 $0xFFFFF000  }
0x55: {  	[spmem:s1] =	stream.indirect.scatter.add.f32 [tilespmem:s21], [sflag:$0x1], $0x20, s20, s16, $0xb8;
	[tilespmem:$0xFF40] =	vst v63  }
0x56: {  	_ =	swait.ge [sflag:s12], $0x1000  }
0x57: {  	[sflag:s12] =	ssyncset.done $0x0  }
0x58: {  	[sflag:s12] =	ssyncadd.s32 $0xFFFFF000  }
0x59: {  	[spmem:s1] =	stream.indirect.scatter.add.f32 [tilespmem:s23], [sflag:$0x1], $0x20, s22, s16, $0xb8;
	[tilespmem:$0xFF40] =	vst v63  }
0x5a: {  	_ =	swait.ge [sflag:s12], $0x1000  }
.Ltmp1:
0x5b: {  	[sflag:s12] =	ssyncset.done $0x0;
	(pc) =	sbr.rel @p1 .LBB2_4-.Ltmp1, $4  }
0x5c: {  	[sflag:s12] =	ssyncadd.s32 $0xFFFFF000  }
0x5d: {  	[spmem:s1] =	stream.indirect.scatter.add.f32 [tilespmem:s25], [sflag:$0x1], $0x20, s24, s16, $0xb8;
	[tilespmem:$0xFF40] =	vst v63  }
0x5e: {  	_ =	swait.ge [sflag:s12], $0x1000  }
0x5f: {  	s31 =	smov.u32 s30;
	s28 =	sadd.s32 $0x1800, s28;
	[sflag:s12] =	ssyncset.done $0x0  }
0x60: {  	s0 =	sadd.s32 s29, s9;
	[sflag:s12] =	ssyncadd.s32 $0xFFFFF000  }
0x61: {  	[tilespmem:s2], [sflag:$0x1] =	stream.linear.gather [hbm4b:s0+s2], $0x300, $0x38;
	[tilespmem:$0xFF40] =	vst v63  }
0x62: {  	_ =	swait.ge [sflag:s12], $0x300  }
0x63: {  	[sflag:s12] =	ssyncset.done $0x0  }
0x64: {  	[sflag:s12] =	ssyncadd.s32 $0xFFFFFD00  }
0x65: {  	[tilespmem:s15], [sflag:$0x1] =	stream.strided.gather [hbm4b:s28+s13], $0x6000, s14, s13, $0x38;
	[tilespmem:$0xFF40] =	vst v63  }
0x66: {  	_ =	swait.ge [sflag:s12], $0x6000  }
0x67: {  	[sflag:s12] =	ssyncset.done $0x0  }
0x68: {  	[sflag:s12] =	ssyncadd.s32 $0xFFFFA000  }
0x69: {  	[spmem:s1] =	stream.indirect.scatter.add.f32 [tilespmem:s15], [sflag:$0x1], $0x20, s2, s16, $0xb8;
	[tilespmem:$0xFF40] =	vst v63  }
0x6a: {  	_ =	swait.ge [sflag:s12], $0x1000  }
0x6b: {  	[sflag:s12] =	ssyncset.done $0x0  }
0x6c: {  	[sflag:s12] =	ssyncadd.s32 $0xFFFFF000  }
0x6d: {  	[spmem:s1] =	stream.indirect.scatter.add.f32 [tilespmem:s17], [sflag:$0x1], $0x20, s16, s16, $0xb8;
	[tilespmem:$0xFF40] =	vst v63  }
0x6e: {  	_ =	swait.ge [sflag:s12], $0x1000  }
0x6f: {  	[sflag:s12] =	ssyncset.done $0x0  }
0x70: {  	[sflag:s12] =	ssyncadd.s32 $0xFFFFF000  }
0x71: {  	[spmem:s1] =	stream.indirect.scatter.add.f32 [tilespmem:s19], [sflag:$0x1], $0x20, s18, s16, $0xb8;
	[tilespmem:$0xFF40] =	vst v63  }
0x72: {  	_ =	swait.ge [sflag:s12], $0x1000  }
0x73: {  	[sflag:s12] =	ssyncset.done $0x0  }
0x74: {  	[sflag:s12] =	ssyncadd.s32 $0xFFFFF000  }
0x75: {  	[spmem:s1] =	stream.indirect.scatter.add.f32 [tilespmem:s21], [sflag:$0x1], $0x20, s20, s16, $0xb8;
	[tilespmem:$0xFF40] =	vst v63  }
0x76: {  	_ =	swait.ge [sflag:s12], $0x1000  }
0x77: {  	[sflag:s12] =	ssyncset.done $0x0  }
0x78: {  	[sflag:s12] =	ssyncadd.s32 $0xFFFFF000  }
0x79: {  	[spmem:s1] =	stream.indirect.scatter.add.f32 [tilespmem:s23], [sflag:$0x1], $0x20, s22, s16, $0xb8;
	[tilespmem:$0xFF40] =	vst v63  }
0x7a: {  	_ =	swait.ge [sflag:s12], $0x1000  }
0x7b: {  	[sflag:s12] =	ssyncset.done $0x0  }
0x7c: {  	[sflag:s12] =	ssyncadd.s32 $0xFFFFF000  }
0x7d: {  	[spmem:s1] =	stream.indirect.scatter.add.f32 [tilespmem:s25], [sflag:$0x1], $0x20, s24, s16, $0xb8;
	[tilespmem:$0xFF40] =	vst v63  }
0x7e: {  	_ =	swait.ge [sflag:s12], $0x1000  }
0x7f: {  	[sflag:s12] =	ssyncset.done $0x0  }
0x80: {  	s0 =	simm.s32 @!p0 $0x0;
	s28 =	simm.s32 @!p0 $0x1;
	[sflag:s12] =	ssyncadd.s32 $0xFFFFF000  }
0x81: {  	[tilespmem:s0], [sflag:$0x1] =	stream.linear.gather @!p0 [hbm4b:s5+s0], $0x80, $0x38;
	[tilespmem:$0xFF40] =	vst v63  }
0x82: {  	_ =	swait.ge @!p0 [sflag:s28], $0x80  }
0x83: {  	s29 =	simm.s32 @!p0 $0x20;
	[sflag:s28] =	ssyncset.done @!p0 $0x0  }
0x84: {  	s30 =	simm.s32 @!p0 $0x40;
	s31 =	simm.s32 @!p0 $0x300;
	[sflag:s28] =	ssyncadd.s32 @!p0 $0xFFFFFF80  }
0x85: {  	[tilespmem:s31], [sflag:$0x1] =	stream.strided.gather @!p0 [hbm4b:s6+s29], $0x1000, s30, s29, $0x38;
	[tilespmem:$0xFF40] =	vst v63  }
0x86: {  	_ =	swait.ge @!p0 [sflag:s28], $0x1000  }
0x87: {  	[sflag:s28] =	ssyncset.done @!p0 $0x0  }
0x88: {  	s29 =	simm.s32 @!p0 $0x80;
	[sflag:s28] =	ssyncadd.s32 @!p0 $0xFFFFF000  }
0x89: {  	[spmem:s1] =	stream.indirect.scatter.add.f32 @!p0 [tilespmem:s31], [sflag:$0x1], $0x20, s0, s29, $0xb8;
	[tilespmem:$0xFF40] =	vst v63  }
0x8a: {  	_ =	swait.ge @!p0 [sflag:s28], $0x1000  }
0x8b: {  	[sflag:s28] =	ssyncset.done @!p0 $0x0  }
0x8c: {  	[sflag:s28] =	ssyncadd.s32 @!p0 $0xFFFFF000  }
0x8d: {  	[bflag:$0x0] =	sbarrier.arrive $0xFFFF  }
0x8e: {  	[tilespmem:s11], [sflag:$0x1] =	stream.linear.gather [spmem:s4], $0x4E20, $0x38;
	[tilespmem:$0xFF40] =	vst v63  }
0x8f: {  	s26 =	sadd.s32 $0x1, s26;
	_ =	swait.ge [sflag:s12], $0x4E20  }
0x90: {  	p1 =	sne.s32 s26, s8;
	[sflag:s12] =	ssyncset.done $0x0  }
.Ltmp2:
0x91: {  	[sflag:s12] =	ssyncadd.s32 $0xFFFFB1E0;
	(pc) =	sbr.rel @p1 .LBB2_1-.Ltmp2, $4  }
0x92: {  	[hbm4b:s7+s2] =	stream.linear.scatter [tilespmem:s11], [sflag:$0x1], $0x4E20, $0x38;
	[tilespmem:$0xFF40] =	vst v63  }
0x93: {  	_ =	swait.ge [sflag:s12], $0x4E20  }
0x94: {  	[sflag:s12] =	ssyncset.done $0x0  }
0x95: {  	[sflag:s12] =	ssyncadd.s32 $0xFFFFB1E0  }
0x96: {  	_ =	sfence.sel $0x180000  }
0x97: {  	[bflag:$0x0] =	sbarrier.arrive $0xFFFF  }
0x98: {  	_ =	strace $0x9000004A  }
0x99: {  	[bflag:$0x2] =	sbarrier.arrive $0xFFFF  }
0x9a: {  	p0 =	sne.s32 s3, $0x0;
	s0 =	rddreg [dreg:$0x4]  }
0x9b: {  	s0 =	sadd.s32 @!p0 $0x100000, s0  }
0x9c: {  	[sflag:s0] =	ssyncadd.tile.s32 @!p0 $0x1;
	_ =	shalt  }
.Lfunc_end2:
_tile_overlayer_lowered:
.L_overlay_start_2:
0x9d: {  	(tag) =	ssettag $0x2  }
0x9e: {  	s0 =	rddreg [dreg:$0x0];
	s2 =	stileid.u32  }
0x9f: {  	s1 =	rddreg [dreg:$0x1];
	p0 =	sne.s32 s2, $0x0  }
0xa0: {  	s3 =	rddreg [dreg:$0x2];
	[bflag:$0x3] =	sbarrier.arrive $0xFFFF;
	s2 =	simm.s32 @!p0 $0x1C01  }
0xa1: {  	[timem:s3], [sflag:s2] =	dma.local @!p0 [hbm:s0], s1  }
0xa2: {  	s0 =	simm.s32 @!p0 $0x1  }
0xa3: {  	_ =	swait.ge @!p0 [sflag:s0], s1  }
0xa4: {  	s1 =	ssub.s32 @!p0 $0x0, s1;
	[sflag:s0] =	ssyncset.done @!p0 $0x0  }
0xa5: {  	[sflag:s0] =	ssyncadd.s32 @!p0 s1  }
0xa6: {  	[bflag:$0x3] =	sbarrier.arrive $0xFFFF  }
0xa7: {  	_ =	shalt  }

</sc_bundles>
